<compile_context>
chip_gen: v7x
topology: tpu7x:2x2x1
jax: 0.10.2.dev20260603
libtpu: 0.0.44.dev20260713+nightly
codegen_flags: <defaults>
</compile_context>

<pallas_src>
import functools

import jax
import jax.numpy as jnp
from jax import lax
from jax.experimental import pallas as pl
from jax.experimental.pallas import tpu as pltpu
from jax.experimental.pallas import tpu_sc as plsc

_NC = 2
_NS = 16
_L = 16
_NW = _NC * _NS


@jax.jit
def _ultragcn_sc(users, items, table):
    E = users.shape[0]
    D = table.shape[1]
    bpw = E // _NW
    groups = bpw // _L

    mesh = plsc.VectorSubcoreMesh(core_axis_name="c", subcore_axis_name="s")

    @functools.partial(
        pl.kernel,
        out_type=jax.ShapeDtypeStruct((E,), jnp.float32),
        mesh=mesh,
        scratch_types=[
            pltpu.VMEM((bpw,), jnp.int32),
            pltpu.VMEM((bpw,), jnp.int32),
            pltpu.VMEM((bpw, D), jnp.float32),
            pltpu.VMEM((bpw, D), jnp.float32),
            pltpu.VMEM((bpw,), jnp.float32),
            pltpu.SemaphoreType.DMA,
            pltpu.SemaphoreType.DMA,
        ],
        compiler_params=pltpu.CompilerParams(
            use_tc_tiling_on_sc=False, needs_layout_passes=False),
    )
    def k(users_hbm, items_hbm, table_hbm, out_hbm,
          idx_u, idx_i, urows, irows, outv, sem_u, sem_i):
        wid = lax.axis_index("s") * _NC + lax.axis_index("c")
        base = wid * bpw
        pltpu.sync_copy(users_hbm.at[pl.ds(base, bpw)], idx_u)
        pltpu.sync_copy(items_hbm.at[pl.ds(base, bpw)], idx_i)
        cu = pltpu.async_copy(table_hbm.at[idx_u], urows, sem_u)
        ci = pltpu.async_copy(table_hbm.at[idx_i], irows, sem_i)
        cu.wait()
        ci.wait()

        lanes = lax.iota(jnp.int32, _L)

        nchunk = D // _L

        def group_body(g, _):
            e0 = g * _L
            out = jnp.zeros((_L,), jnp.float32)
            for j in range(_L):
                e = e0 + j
                p = jnp.zeros((_L,), jnp.float32)
                for c in range(nchunk):
                    uv = urows[e, pl.ds(c * _L, _L)]
                    iv = irows[e, pl.ds(c * _L, _L)]
                    p = p + uv * iv
                s = jnp.sum(p)
                out = jnp.where(lanes == j, s, out)
            outv[pl.ds(e0, _L)] = out
            return 0

        lax.fori_loop(0, groups, group_body, 0)
        pltpu.sync_copy(outv, out_hbm.at[pl.ds(base, bpw)])

    return k(users, items, table)


def kernel(edge_index, embedding_weight):
    users = edge_index[0]
    items = edge_index[1]
    return _ultragcn_sc(users, items, embedding_weight)

# --- scband reference (transcript-rebuilt; emitter-appended) ---
"""Pipeline reference for scband-ultra-gcn-27118423507522 (READ-ONLY COPY).

The authoritative reference and input builder live on the scoring server;
editing this copy changes nothing except your own understanding.
"""

import jax, jax.numpy as jnp
import numpy as np

NUM_NODES = 1000000
EMBED_DIM = 64
NUM_EDGES = 16384
INITIAL_WEIGHT = 0.1


def setup_inputs(seed: int = 0) -> dict:
    key = jax.random.key(seed)
    k_idx, k_emb = jax.random.split(key)
    edge_index = jax.random.randint(k_idx, (2, NUM_EDGES), 0, NUM_NODES, dtype=jnp.int64 if jax.config.read('jax_enable_x64') else jnp.int32)
    edge_index = edge_index.astype(jnp.int32)
    embedding_weight = jax.random.normal(k_emb, (NUM_NODES, EMBED_DIM), dtype=jnp.float32) * INITIAL_WEIGHT
    return {"edge_index": edge_index, "embedding_weight": embedding_weight}


def reference(edge_index, embedding_weight):
    # UltraGCN.forward: gather user/item embeddings and compute dot product
    users = edge_index[0]
    items = edge_index[1]
    user_emb = jnp.take(embedding_weight, users, axis=0)
    item_emb = jnp.take(embedding_weight, items, axis=0)
    pred = jnp.sum(user_emb * item_emb, axis=-1)
    return pred

if __name__ == "__main__":
    import jax
    _d = setup_inputs()
    print(jax.jit(kernel)(*tuple(_d.values())))

</pallas_src>

<mosaic_0001>
#map = affine_map<(d0, d1) -> (0)>
#map1 = affine_map<(d0, d1) -> (0, 0)>
module attributes {stable_mosaic.version = 14 : i64} {
  func.func @k(%arg0: i32, %arg1: i32, %arg2: memref<16384xi32, #tpu.memory_space<hbm>>, %arg3: memref<16384xi32, #tpu.memory_space<hbm>>, %arg4: memref<1000000x64xf32, #tpu.memory_space<hbm>>, %arg5: memref<16384xf32, #tpu.memory_space<hbm>>, %arg6: memref<512xi32, #tpu.memory_space<vmem>>, %arg7: memref<512xi32, #tpu.memory_space<vmem>>, %arg8: memref<512x64xf32, #tpu.memory_space<vmem>>, %arg9: memref<512x64xf32, #tpu.memory_space<vmem>>, %arg10: memref<512xf32, #tpu.memory_space<vmem>>, %arg11: memref<!tpu.dma_semaphore, #tpu.memory_space<semaphore_mem>>, %arg12: memref<!tpu.dma_semaphore, #tpu.memory_space<semaphore_mem>>) attributes {dimension_semantics = [#tpu.dimension_semantics<core_parallel>, #tpu.dimension_semantics<subcore_parallel>], iteration_bounds = array<i64: 2, 16>, scalar_prefetch = 0 : i64, scratch_operands = 7 : i64, tpu.core_type = #tpu.core_type<sc_vector_subcore>, window_params = [{transform_indices = #map}, {transform_indices = #map}, {transform_indices = #map1}, {transform_indices = #map}]} {
    %mul3A = arith.constant 2 : i32
    %mul3A_0 = arith.muli %arg1, %mul3A : i32
    %add3A = arith.addi %mul3A_0, %arg0 : i32
    %mul3A_1 = arith.constant 512 : i32
    %mul3A_2 = arith.muli %add3A, %mul3A_1 : i32
    "tpu.region"() ({
      %run_scoped3A = tpu.sem_alloc : memref<!tpu.dma_semaphore, #tpu.memory_space<semaphore_mem>>
      %dma_start3A_19 = tpu.memref_slice %arg2[%mul3A_2] : memref<16384xi32, #tpu.memory_space<hbm>> -> memref<512xi32, #tpu.memory_space<hbm>>
      %dma_start3A_20 = tpu.memref_slice %arg2[%mul3A_2] : memref<16384xi32, #tpu.memory_space<hbm>> -> memref<512xi32, #tpu.memory_space<hbm>>
      tpu.enqueue_dma source(%dma_start3A_20 : memref<512xi32, #tpu.memory_space<hbm>>) target(%arg6 : memref<512xi32, #tpu.memory_space<vmem>>) target_semaphore(%run_scoped3A : memref<!tpu.dma_semaphore, #tpu.memory_space<semaphore_mem>>)
      %dma_wait3A_21 = tpu.memref_slice %arg2[%mul3A_2] : memref<16384xi32, #tpu.memory_space<hbm>> -> memref<512xi32, #tpu.memory_space<hbm>>
      %dma_wait3A_22 = tpu.memref_slice %arg2[%mul3A_2] : memref<16384xi32, #tpu.memory_space<hbm>> -> memref<512xi32, #tpu.memory_space<hbm>>
      tpu.wait_dma2 semaphore(%run_scoped3A : memref<!tpu.dma_semaphore, #tpu.memory_space<semaphore_mem>>) src(%dma_wait3A_22 : memref<512xi32, #tpu.memory_space<hbm>>) dst(%arg6 : memref<512xi32, #tpu.memory_space<vmem>>)
      tpu.yield
    }) : () -> ()
    "tpu.region"() ({
      %run_scoped3A = tpu.sem_alloc : memref<!tpu.dma_semaphore, #tpu.memory_space<semaphore_mem>>
      %dma_start3A_19 = tpu.memref_slice %arg3[%mul3A_2] : memref<16384xi32, #tpu.memory_space<hbm>> -> memref<512xi32, #tpu.memory_space<hbm>>
      %dma_start3A_20 = tpu.memref_slice %arg3[%mul3A_2] : memref<16384xi32, #tpu.memory_space<hbm>> -> memref<512xi32, #tpu.memory_space<hbm>>
      tpu.enqueue_dma source(%dma_start3A_20 : memref<512xi32, #tpu.memory_space<hbm>>) target(%arg7 : memref<512xi32, #tpu.memory_space<vmem>>) target_semaphore(%run_scoped3A : memref<!tpu.dma_semaphore, #tpu.memory_space<semaphore_mem>>)
      %dma_wait3A_21 = tpu.memref_slice %arg3[%mul3A_2] : memref<16384xi32, #tpu.memory_space<hbm>> -> memref<512xi32, #tpu.memory_space<hbm>>
      %dma_wait3A_22 = tpu.memref_slice %arg3[%mul3A_2] : memref<16384xi32, #tpu.memory_space<hbm>> -> memref<512xi32, #tpu.memory_space<hbm>>
      tpu.wait_dma2 semaphore(%run_scoped3A : memref<!tpu.dma_semaphore, #tpu.memory_space<semaphore_mem>>) src(%dma_wait3A_22 : memref<512xi32, #tpu.memory_space<hbm>>) dst(%arg7 : memref<512xi32, #tpu.memory_space<vmem>>)
      tpu.yield
    }) : () -> ()
    %dma_start3A = arith.constant 0 : i32
    %dma_start3A_3 = arith.constant 0 : i32
    %dma_start3A_4 = tpu.memref_slice %arg4[%dma_start3A, %dma_start3A_3] : memref<1000000x64xf32, #tpu.memory_space<hbm>> -> memref<1000000x64xf32, #tpu.memory_space<hbm>>
    tpu.enqueue_indirect_dma source(%dma_start3A_4 : memref<1000000x64xf32, #tpu.memory_space<hbm>>) target(%arg8 : memref<512x64xf32, #tpu.memory_space<vmem>>) offsets(%arg6 : memref<512xi32, #tpu.memory_space<vmem>>) semaphore(%arg11 : memref<!tpu.dma_semaphore, #tpu.memory_space<semaphore_mem>>)
    %dma_start3A_5 = arith.constant 0 : i32
    %dma_start3A_6 = arith.constant 0 : i32
    %dma_start3A_7 = tpu.memref_slice %arg4[%dma_start3A_5, %dma_start3A_6] : memref<1000000x64xf32, #tpu.memory_space<hbm>> -> memref<1000000x64xf32, #tpu.memory_space<hbm>>
    tpu.enqueue_indirect_dma source(%dma_start3A_7 : memref<1000000x64xf32, #tpu.memory_space<hbm>>) target(%arg9 : memref<512x64xf32, #tpu.memory_space<vmem>>) offsets(%arg7 : memref<512xi32, #tpu.memory_space<vmem>>) semaphore(%arg12 : memref<!tpu.dma_semaphore, #tpu.memory_space<semaphore_mem>>)
    %dma_wait3A = arith.constant 0 : i32
    %dma_wait3A_8 = arith.constant 0 : i32
    %dma_wait3A_9 = tpu.memref_slice %arg4[%dma_wait3A, %dma_wait3A_8] : memref<1000000x64xf32, #tpu.memory_space<hbm>> -> memref<1000000x64xf32, #tpu.memory_space<hbm>>
    tpu.wait_indirect_dma semaphore(%arg11 : memref<!tpu.dma_semaphore, #tpu.memory_space<semaphore_mem>>) src(%dma_wait3A_9 : memref<1000000x64xf32, #tpu.memory_space<hbm>>) dst(%arg8 : memref<512x64xf32, #tpu.memory_space<vmem>>)
    %dma_wait3A_10 = arith.constant 0 : i32
    %dma_wait3A_11 = arith.constant 0 : i32
    %dma_wait3A_12 = tpu.memref_slice %arg4[%dma_wait3A_10, %dma_wait3A_11] : memref<1000000x64xf32, #tpu.memory_space<hbm>> -> memref<1000000x64xf32, #tpu.memory_space<hbm>>
    tpu.wait_indirect_dma semaphore(%arg12 : memref<!tpu.dma_semaphore, #tpu.memory_space<semaphore_mem>>) src(%dma_wait3A_12 : memref<1000000x64xf32, #tpu.memory_space<hbm>>) dst(%arg9 : memref<512x64xf32, #tpu.memory_space<vmem>>)
    %iota3A = tpu.iota {dimensions = array<i32: 0>} : vector<16xi32>
    %scan3A = arith.constant 0 : i32
    %scan3A_13 = arith.constant 0 : i32
    %scan3A_14 = arith.constant 32 : i32
    %scan3A_15 = arith.addi %scan3A_13, %scan3A_14 : i32
    %scan3A_16 = arith.constant 1 : i32
    %scan3A_17 = scf.for %scan3A_19 = %scan3A_13 to %scan3A_15 step %scan3A_16 iter_args(%scan3A_20 = %scan3A) -> (i32)  : i32 {
      %mul3A_21 = arith.constant 16 : i32
      %mul3A_22 = arith.muli %scan3A_19, %mul3A_21 : i32
      %broadcast_in_dim3A = arith.constant 0.000000e+00 : f32
      %broadcast_in_dim3A_23 = vector.broadcast %broadcast_in_dim3A : f32 to vector<16xf32>
      %add3A_24 = arith.constant 0 : i32
      %add3A_25 = arith.addi %mul3A_22, %add3A_24 : i32
      %broadcast_in_dim3A_26 = arith.constant 0.000000e+00 : f32
      %broadcast_in_dim3A_27 = vector.broadcast %broadcast_in_dim3A_26 : f32 to vector<16xf32>
      %get3A = arith.index_cast %add3A_25 : i32 to index
      %get3A_28 = arith.constant 0 : index
      %get3A_29 = tpu.vector_load %arg8[%get3A, %get3A_28] {strides = array<i32>} : memref<512x64xf32, #tpu.memory_space<vmem>>, vector<16xf32>,
      %get3A_30 = arith.index_cast %add3A_25 : i32 to index
      %get3A_31 = arith.constant 0 : index
      %get3A_32 = tpu.vector_load %arg9[%get3A_30, %get3A_31] {strides = array<i32>} : memref<512x64xf32, #tpu.memory_space<vmem>>, vector<16xf32>,
      %mul3A_33 = arith.mulf %get3A_29, %get3A_32 : vector<16xf32>
      %add3A_34 = arith.addf %broadcast_in_dim3A_27, %mul3A_33 : vector<16xf32>
      %get3A_35 = arith.index_cast %add3A_25 : i32 to index
      %get3A_36 = arith.constant 16 : index
      %get3A_37 = tpu.vector_load %arg8[%get3A_35, %get3A_36] {strides = array<i32>} : memref<512x64xf32, #tpu.memory_space<vmem>>, vector<16xf32>,
      %get3A_38 = arith.index_cast %add3A_25 : i32 to index
      %get3A_39 = arith.constant 16 : index
      %get3A_40 = tpu.vector_load %arg9[%get3A_38, %get3A_39] {strides = array<i32>} : memref<512x64xf32, #tpu.memory_space<vmem>>, vector<16xf32>,
      %mul3A_41 = arith.mulf %get3A_37, %get3A_40 : vector<16xf32>
      %add3A_42 = arith.addf %add3A_34, %mul3A_41 : vector<16xf32>
      %get3A_43 = arith.index_cast %add3A_25 : i32 to index
      %get3A_44 = arith.constant 32 : index
      %get3A_45 = tpu.vector_load %arg8[%get3A_43, %get3A_44] {strides = array<i32>} : memref<512x64xf32, #tpu.memory_space<vmem>>, vector<16xf32>,
      %get3A_46 = arith.index_cast %add3A_25 : i32 to index
      %get3A_47 = arith.constant 32 : index
      %get3A_48 = tpu.vector_load %arg9[%get3A_46, %get3A_47] {strides = array<i32>} : memref<512x64xf32, #tpu.memory_space<vmem>>, vector<16xf32>,
      %mul3A_49 = arith.mulf %get3A_45, %get3A_48 : vector<16xf32>
      %add3A_50 = arith.addf %add3A_42, %mul3A_49 : vector<16xf32>
      %get3A_51 = arith.index_cast %add3A_25 : i32 to index
      %get3A_52 = arith.constant 48 : index
      %get3A_53 = tpu.vector_load %arg8[%get3A_51, %get3A_52] {strides = array<i32>} : memref<512x64xf32, #tpu.memory_space<vmem>>, vector<16xf32>,
      %get3A_54 = arith.index_cast %add3A_25 : i32 to index
      %get3A_55 = arith.constant 48 : index
      %get3A_56 = tpu.vector_load %arg9[%get3A_54, %get3A_55] {strides = array<i32>} : memref<512x64xf32, #tpu.memory_space<vmem>>, vector<16xf32>,
      %mul3A_57 = arith.mulf %get3A_53, %get3A_56 : vector<16xf32>
      %add3A_58 = arith.addf %add3A_50, %mul3A_57 : vector<16xf32>
      %reduce_sum3A = arith.constant true
      %reduce_sum3A_59 = vector.broadcast %reduce_sum3A : i1 to vector<16xi1>
      %reduce_sum3A_60 = tpu.scan <sum>, %add3A_58 masked %reduce_sum3A_59 : vector<16xf32>, vector<16xi1> -> vector<16xf32>
      %reduce_sum3A_61 = vector.extract %reduce_sum3A_60[15] : f32 from vector<16xf32>
      %eq3A = arith.constant 0 : i32
      %eq3A_62 = vector.broadcast %eq3A : i32 to vector<16xi32>
      %eq3A_63 = arith.cmpi eq, %iota3A, %eq3A_62 : vector<16xi32>
      %broadcast_in_dim3A_64 = vector.broadcast %reduce_sum3A_61 : f32 to vector<16xf32>
      %select_n3A = arith.select %eq3A_63, %broadcast_in_dim3A_64, %broadcast_in_dim3A_23 : vector<16xi1>, vector<16xf32>
      %add3A_65 = arith.constant 1 : i32
      %add3A_66 = arith.addi %mul3A_22, %add3A_65 : i32
      %broadcast_in_dim3A_67 = arith.constant 0.000000e+00 : f32
      %broadcast_in_dim3A_68 = vector.broadcast %broadcast_in_dim3A_67 : f32 to vector<16xf32>
      %get3A_69 = arith.index_cast %add3A_66 : i32 to index
      %get3A_70 = arith.constant 0 : index
      %get3A_71 = tpu.vector_load %arg8[%get3A_69, %get3A_70] {strides = array<i32>} : memref<512x64xf32, #tpu.memory_space<vmem>>, vector<16xf32>,
      %get3A_72 = arith.index_cast %add3A_66 : i32 to index
      %get3A_73 = arith.constant 0 : index
      %get3A_74 = tpu.vector_load %arg9[%get3A_72, %get3A_73] {strides = array<i32>} : memref<512x64xf32, #tpu.memory_space<vmem>>, vector<16xf32>,
      %mul3A_75 = arith.mulf %get3A_71, %get3A_74 : vector<16xf32>
      %add3A_76 = arith.addf %broadcast_in_dim3A_68, %mul3A_75 : vector<16xf32>
      %get3A_77 = arith.index_cast %add3A_66 : i32 to index
      %get3A_78 = arith.constant 16 : index
      %get3A_79 = tpu.vector_load %arg8[%get3A_77, %get3A_78] {strides = array<i32>} : memref<512x64xf32, #tpu.memory_space<vmem>>, vector<16xf32>,
      %get3A_80 = arith.index_cast %add3A_66 : i32 to index
      %get3A_81 = arith.constant 16 : index
      %get3A_82 = tpu.vector_load %arg9[%get3A_80, %get3A_81] {strides = array<i32>} : memref<512x64xf32, #tpu.memory_space<vmem>>, vector<16xf32>,
      %mul3A_83 = arith.mulf %get3A_79, %get3A_82 : vector<16xf32>
      %add3A_84 = arith.addf %add3A_76, %mul3A_83 : vector<16xf32>
      %get3A_85 = arith.index_cast %add3A_66 : i32 to index
      %get3A_86 = arith.constant 32 : index
      %get3A_87 = tpu.vector_load %arg8[%get3A_85, %get3A_86] {strides = array<i32>} : memref<512x64xf32, #tpu.memory_space<vmem>>, vector<16xf32>,
      %get3A_88 = arith.index_cast %add3A_66 : i32 to index
      %get3A_89 = arith.constant 32 : index
      %get3A_90 = tpu.vector_load %arg9[%get3A_88, %get3A_89] {strides = array<i32>} : memref<512x64xf32, #tpu.memory_space<vmem>>, vector<16xf32>,
      %mul3A_91 = arith.mulf %get3A_87, %get3A_90 : vector<16xf32>
      %add3A_92 = arith.addf %add3A_84, %mul3A_91 : vector<16xf32>
      %get3A_93 = arith.index_cast %add3A_66 : i32 to index
      %get3A_94 = arith.constant 48 : index
      %get3A_95 = tpu.vector_load %arg8[%get3A_93, %get3A_94] {strides = array<i32>} : memref<512x64xf32, #tpu.memory_space<vmem>>, vector<16xf32>,
      %get3A_96 = arith.index_cast %add3A_66 : i32 to index
      %get3A_97 = arith.constant 48 : index
      %get3A_98 = tpu.vector_load %arg9[%get3A_96, %get3A_97] {strides = array<i32>} : memref<512x64xf32, #tpu.memory_space<vmem>>, vector<16xf32>,
      %mul3A_99 = arith.mulf %get3A_95, %get3A_98 : vector<16xf32>
      %add3A_100 = arith.addf %add3A_92, %mul3A_99 : vector<16xf32>
      %reduce_sum3A_101 = arith.constant true
      %reduce_sum3A_102 = vector.broadcast %reduce_sum3A_101 : i1 to vector<16xi1>
      %reduce_sum3A_103 = tpu.scan <sum>, %add3A_100 masked %reduce_sum3A_102 : vector<16xf32>, vector<16xi1> -> vector<16xf32>
      %reduce_sum3A_104 = vector.extract %reduce_sum3A_103[15] : f32 from vector<16xf32>
      %eq3A_105 = arith.constant 1 : i32
      %eq3A_106 = vector.broadcast %eq3A_105 : i32 to vector<16xi32>
      %eq3A_107 = arith.cmpi eq, %iota3A, %eq3A_106 : vector<16xi32>
      %broadcast_in_dim3A_108 = vector.broadcast %reduce_sum3A_104 : f32 to vector<16xf32>
      %select_n3A_109 = arith.select %eq3A_107, %broadcast_in_dim3A_108, %select_n3A : vector<16xi1>, vector<16xf32>
      %add3A_110 = arith.constant 2 : i32
      %add3A_111 = arith.addi %mul3A_22, %add3A_110 : i32
      %broadcast_in_dim3A_112 = arith.constant 0.000000e+00 : f32
      %broadcast_in_dim3A_113 = vector.broadcast %broadcast_in_dim3A_112 : f32 to vector<16xf32>
      %get3A_114 = arith.index_cast %add3A_111 : i32 to index
      %get3A_115 = arith.constant 0 : index
      %get3A_116 = tpu.vector_load %arg8[%get3A_114, %get3A_115] {strides = array<i32>} : memref<512x64xf32, #tpu.memory_space<vmem>>, vector<16xf32>,
      %get3A_117 = arith.index_cast %add3A_111 : i32 to index
      %get3A_118 = arith.constant 0 : index
      %get3A_119 = tpu.vector_load %arg9[%get3A_117, %get3A_118] {strides = array<i32>} : memref<512x64xf32, #tpu.memory_space<vmem>>, vector<16xf32>,
      %mul3A_120 = arith.mulf %get3A_116, %get3A_119 : vector<16xf32>
      %add3A_121 = arith.addf %broadcast_in_dim3A_113, %mul3A_120 : vector<16xf32>
      %get3A_122 = arith.index_cast %add3A_111 : i32 to index
      %get3A_123 = arith.constant 16 : index
      %get3A_124 = tpu.vector_load %arg8[%get3A_122, %get3A_123] {strides = array<i32>} : memref<512x64xf32, #tpu.memory_space<vmem>>, vector<16xf32>,
      %get3A_125 = arith.index_cast %add3A_111 : i32 to index
      %get3A_126 = arith.constant 16 : index
      %get3A_127 = tpu.vector_load %arg9[%get3A_125, %get3A_126] {strides = array<i32>} : memref<512x64xf32, #tpu.memory_space<vmem>>, vector<16xf32>,
      %mul3A_128 = arith.mulf %get3A_124, %get3A_127 : vector<16xf32>
      %add3A_129 = arith.addf %add3A_121, %mul3A_128 : vector<16xf32>
      %get3A_130 = arith.index_cast %add3A_111 : i32 to index
      %get3A_131 = arith.constant 32 : index
      %get3A_132 = tpu.vector_load %arg8[%get3A_130, %get3A_131] {strides = array<i32>} : memref<512x64xf32, #tpu.memory_space<vmem>>, vector<16xf32>,
      %get3A_133 = arith.index_cast %add3A_111 : i32 to index
      %get3A_134 = arith.constant 32 : index
      %get3A_135 = tpu.vector_load %arg9[%get3A_133, %get3A_134] {strides = array<i32>} : memref<512x64xf32, #tpu.memory_space<vmem>>, vector<16xf32>,
      %mul3A_136 = arith.mulf %get3A_132, %get3A_135 : vector<16xf32>
      %add3A_137 = arith.addf %add3A_129, %mul3A_136 : vector<16xf32>
      %get3A_138 = arith.index_cast %add3A_111 : i32 to index
      %get3A_139 = arith.constant 48 : index
      %get3A_140 = tpu.vector_load %arg8[%get3A_138, %get3A_139] {strides = array<i32>} : memref<512x64xf32, #tpu.memory_space<vmem>>, vector<16xf32>,
      %get3A_141 = arith.index_cast %add3A_111 : i32 to index
      %get3A_142 = arith.constant 48 : index
      %get3A_143 = tpu.vector_load %arg9[%get3A_141, %get3A_142] {strides = array<i32>} : memref<512x64xf32, #tpu.memory_space<vmem>>, vector<16xf32>,
      %mul3A_144 = arith.mulf %get3A_140, %get3A_143 : vector<16xf32>
      %add3A_145 = arith.addf %add3A_137, %mul3A_144 : vector<16xf32>
      %reduce_sum3A_146 = arith.constant true
      %reduce_sum3A_147 = vector.broadcast %reduce_sum3A_146 : i1 to vector<16xi1>
      %reduce_sum3A_148 = tpu.scan <sum>, %add3A_145 masked %reduce_sum3A_147 : vector<16xf32>, vector<16xi1> -> vector<16xf32>
      %reduce_sum3A_149 = vector.extract %reduce_sum3A_148[15] : f32 from vector<16xf32>
      %eq3A_150 = arith.constant 2 : i32
      %eq3A_151 = vector.broadcast %eq3A_150 : i32 to vector<16xi32>
      %eq3A_152 = arith.cmpi eq, %iota3A, %eq3A_151 : vector<16xi32>
      %broadcast_in_dim3A_153 = vector.broadcast %reduce_sum3A_149 : f32 to vector<16xf32>
      %select_n3A_154 = arith.select %eq3A_152, %broadcast_in_dim3A_153, %select_n3A_109 : vector<16xi1>, vector<16xf32>
      %add3A_155 = arith.constant 3 : i32
      %add3A_156 = arith.addi %mul3A_22, %add3A_155 : i32
      %broadcast_in_dim3A_157 = arith.constant 0.000000e+00 : f32
      %broadcast_in_dim3A_158 = vector.broadcast %broadcast_in_dim3A_157 : f32 to vector<16xf32>
      %get3A_159 = arith.index_cast %add3A_156 : i32 to index
      %get3A_160 = arith.constant 0 : index
      %get3A_161 = tpu.vector_load %arg8[%get3A_159, %get3A_160] {strides = array<i32>} : memref<512x64xf32, #tpu.memory_space<vmem>>, vector<16xf32>,
      %get3A_162 = arith.index_cast %add3A_156 : i32 to index
      %get3A_163 = arith.constant 0 : index
      %get3A_164 = tpu.vector_load %arg9[%get3A_162, %get3A_163] {strides = array<i32>} : memref<512x64xf32, #tpu.memory_space<vmem>>, vector<16xf32>,
      %mul3A_165 = arith.mulf %get3A_161, %get3A_164 : vector<16xf32>
      %add3A_166 = arith.addf %broadcast_in_dim3A_158, %mul3A_165 : vector<16xf32>
      %get3A_167 = arith.index_cast %add3A_156 : i32 to index
      %get3A_168 = arith.constant 16 : index
      %get3A_169 = tpu.vector_load %arg8[%get3A_167, %get3A_168] {strides = array<i32>} : memref<512x64xf32, #tpu.memory_space<vmem>>, vector<16xf32>,
      %get3A_170 = arith.index_cast %add3A_156 : i32 to index
      %get3A_171 = arith.constant 16 : index
      %get3A_172 = tpu.vector_load %arg9[%get3A_170, %get3A_171] {strides = array<i32>} : memref<512x64xf32, #tpu.memory_space<vmem>>, vector<16xf32>,
      %mul3A_173 = arith.mulf %get3A_169, %get3A_172 : vector<16xf32>
      %add3A_174 = arith.addf %add3A_166, %mul3A_173 : vector<16xf32>
      %get3A_175 = arith.index_cast %add3A_156 : i32 to index
      %get3A_176 = arith.constant 32 : index
      %get3A_177 = tpu.vector_load %arg8[%get3A_175, %get3A_176] {strides = array<i32>} : memref<512x64xf32, #tpu.memory_space<vmem>>, vector<16xf32>,
      %get3A_178 = arith.index_cast %add3A_156 : i32 to index
      %get3A_179 = arith.constant 32 : index
      %get3A_180 = tpu.vector_load %arg9[%get3A_178, %get3A_179] {strides = array<i32>} : memref<512x64xf32, #tpu.memory_space<vmem>>, vector<16xf32>,
      %mul3A_181 = arith.mulf %get3A_177, %get3A_180 : vector<16xf32>
      %add3A_182 = arith.addf %add3A_174, %mul3A_181 : vector<16xf32>
      %get3A_183 = arith.index_cast %add3A_156 : i32 to index
      %get3A_184 = arith.constant 48 : index
      %get3A_185 = tpu.vector_load %arg8[%get3A_183, %get3A_184] {strides = array<i32>} : memref<512x64xf32, #tpu.memory_space<vmem>>, vector<16xf32>,
      %get3A_186 = arith.index_cast %add3A_156 : i32 to index
      %get3A_187 = arith.constant 48 : index
      %get3A_188 = tpu.vector_load %arg9[%get3A_186, %get3A_187] {strides = array<i32>} : memref<512x64xf32, #tpu.memory_space<vmem>>, vector<16xf32>,
      %mul3A_189 = arith.mulf %get3A_185, %get3A_188 : vector<16xf32>
      %add3A_190 = arith.addf %add3A_182, %mul3A_189 : vector<16xf32>
      %reduce_sum3A_191 = arith.constant true
      %reduce_sum3A_192 = vector.broadcast %reduce_sum3A_191 : i1 to vector<16xi1>
      %reduce_sum3A_193 = tpu.scan <sum>, %add3A_190 masked %reduce_sum3A_192 : vector<16xf32>, vector<16xi1> -> vector<16xf32>
      %reduce_sum3A_194 = vector.extract %reduce_sum3A_193[15] : f32 from vector<16xf32>
      %eq3A_195 = arith.constant 3 : i32
      %eq3A_196 = vector.broadcast %eq3A_195 : i32 to vector<16xi32>
      %eq3A_197 = arith.cmpi eq, %iota3A, %eq3A_196 : vector<16xi32>
      %broadcast_in_dim3A_198 = vector.broadcast %reduce_sum3A_194 : f32 to vector<16xf32>
      %select_n3A_199 = arith.select %eq3A_197, %broadcast_in_dim3A_198, %select_n3A_154 : vector<16xi1>, vector<16xf32>
      %add3A_200 = arith.constant 4 : i32
      %add3A_201 = arith.addi %mul3A_22, %add3A_200 : i32
      %broadcast_in_dim3A_202 = arith.constant 0.000000e+00 : f32
      %broadcast_in_dim3A_203 = vector.broadcast %broadcast_in_dim3A_202 : f32 to vector<16xf32>
      %get3A_204 = arith.index_cast %add3A_201 : i32 to index
      %get3A_205 = arith.constant 0 : index
      %get3A_206 = tpu.vector_load %arg8[%get3A_204, %get3A_205] {strides = array<i32>} : memref<512x64xf32, #tpu.memory_space<vmem>>, vector<16xf32>,
      %get3A_207 = arith.index_cast %add3A_201 : i32 to index
      %get3A_208 = arith.constant 0 : index
      %get3A_209 = tpu.vector_load %arg9[%get3A_207, %get3A_208] {strides = array<i32>} : memref<512x64xf32, #tpu.memory_space<vmem>>, vector<16xf32>,
      %mul3A_210 = arith.mulf %get3A_206, %get3A_209 : vector<16xf32>
      %add3A_211 = arith.addf %broadcast_in_dim3A_203, %mul3A_210 : vector<16xf32>
      %get3A_212 = arith.index_cast %add3A_201 : i32 to index
      %get3A_213 = arith.constant 16 : index
      %get3A_214 = tpu.vector_load %arg8[%get3A_212, %get3A_213] {strides = array<i32>} : memref<512x64xf32, #tpu.memory_space<vmem>>, vector<16xf32>,
      %get3A_215 = arith.index_cast %add3A_201 : i32 to index
      %get3A_216 = arith.constant 16 : index
      %get3A_217 = tpu.vector_load %arg9[%get3A_215, %get3A_216] {strides = array<i32>} : memref<512x64xf32, #tpu.memory_space<vmem>>, vector<16xf32>,
      %mul3A_218 = arith.mulf %get3A_214, %get3A_217 : vector<16xf32>
      %add3A_219 = arith.addf %add3A_211, %mul3A_218 : vector<16xf32>
      %get3A_220 = arith.index_cast %add3A_201 : i32 to index
      %get3A_221 = arith.constant 32 : index
      %get3A_222 = tpu.vector_load %arg8[%get3A_220, %get3A_221] {strides = array<i32>} : memref<512x64xf32, #tpu.memory_space<vmem>>, vector<16xf32>,
      %get3A_223 = arith.index_cast %add3A_201 : i32 to index
      %get3A_224 = arith.constant 32 : index
      %get3A_225 = tpu.vector_load %arg9[%get3A_223, %get3A_224] {strides = array<i32>} : memref<512x64xf32, #tpu.memory_space<vmem>>, vector<16xf32>,
      %mul3A_226 = arith.mulf %get3A_222, %get3A_225 : vector<16xf32>
      %add3A_227 = arith.addf %add3A_219, %mul3A_226 : vector<16xf32>
      %get3A_228 = arith.index_cast %add3A_201 : i32 to index
      %get3A_229 = arith.constant 48 : index
      %get3A_230 = tpu.vector_load %arg8[%get3A_228, %get3A_229] {strides = array<i32>} : memref<512x64xf32, #tpu.memory_space<vmem>>, vector<16xf32>,
      %get3A_231 = arith.index_cast %add3A_201 : i32 to index
      %get3A_232 = arith.constant 48 : index
      %get3A_233 = tpu.vector_load %arg9[%get3A_231, %get3A_232] {strides = array<i32>} : memref<512x64xf32, #tpu.memory_space<vmem>>, vector<16xf32>,
      %mul3A_234 = arith.mulf %get3A_230, %get3A_233 : vector<16xf32>
      %add3A_235 = arith.addf %add3A_227, %mul3A_234 : vector<16xf32>
      %reduce_sum3A_236 = arith.constant true
      %reduce_sum3A_237 = vector.broadcast %reduce_sum3A_236 : i1 to vector<16xi1>
      %reduce_sum3A_238 = tpu.scan <sum>, %add3A_235 masked %reduce_sum3A_237 : vector<16xf32>, vector<16xi1> -> vector<16xf32>
      %reduce_sum3A_239 = vector.extract %reduce_sum3A_238[15] : f32 from vector<16xf32>
      %eq3A_240 = arith.constant 4 : i32
      %eq3A_241 = vector.broadcast %eq3A_240 : i32 to vector<16xi32>
      %eq3A_242 = arith.cmpi eq, %iota3A, %eq3A_241 : vector<16xi32>
      %broadcast_in_dim3A_243 = vector.broadcast %reduce_sum3A_239 : f32 to vector<16xf32>
      %select_n3A_244 = arith.select %eq3A_242, %broadcast_in_dim3A_243, %select_n3A_199 : vector<16xi1>, vector<16xf32>
      %add3A_245 = arith.constant 5 : i32
      %add3A_246 = arith.addi %mul3A_22, %add3A_245 : i32
      %broadcast_in_dim3A_247 = arith.constant 0.000000e+00 : f32
      %broadcast_in_dim3A_248 = vector.broadcast %broadcast_in_dim3A_247 : f32 to vector<16xf32>
      %get3A_249 = arith.index_cast %add3A_246 : i32 to index
      %get3A_250 = arith.constant 0 : index
      %get3A_251 = tpu.vector_load %arg8[%get3A_249, %get3A_250] {strides = array<i32>} : memref<512x64xf32, #tpu.memory_space<vmem>>, vector<16xf32>,
      %get3A_252 = arith.index_cast %add3A_246 : i32 to index
      %get3A_253 = arith.constant 0 : index
      %get3A_254 = tpu.vector_load %arg9[%get3A_252, %get3A_253] {strides = array<i32>} : memref<512x64xf32, #tpu.memory_space<vmem>>, vector<16xf32>,
      %mul3A_255 = arith.mulf %get3A_251, %get3A_254 : vector<16xf32>
      %add3A_256 = arith.addf %broadcast_in_dim3A_248, %mul3A_255 : vector<16xf32>
      %get3A_257 = arith.index_cast %add3A_246 : i32 to index
      %get3A_258 = arith.constant 16 : index
      %get3A_259 = tpu.vector_load %arg8[%get3A_257, %get3A_258] {strides = array<i32>} : memref<512x64xf32, #tpu.memory_space<vmem>>, vector<16xf32>,
      %get3A_260 = arith.index_cast %add3A_246 : i32 to index
      %get3A_261 = arith.constant 16 : index
      %get3A_262 = tpu.vector_load %arg9[%get3A_260, %get3A_261] {strides = array<i32>} : memref<512x64xf32, #tpu.memory_space<vmem>>, vector<16xf32>,
      %mul3A_263 = arith.mulf %get3A_259, %get3A_262 : vector<16xf32>
      %add3A_264 = arith.addf %add3A_256, %mul3A_263 : vector<16xf32>
      %get3A_265 = arith.index_cast %add3A_246 : i32 to index
      %get3A_266 = arith.constant 32 : index
      %get3A_267 = tpu.vector_load %arg8[%get3A_265, %get3A_266] {strides = array<i32>} : memref<512x64xf32, #tpu.memory_space<vmem>>, vector<16xf32>,
      %get3A_268 = arith.index_cast %add3A_246 : i32 to index
      %get3A_269 = arith.constant 32 : index
      %get3A_270 = tpu.vector_load %arg9[%get3A_268, %get3A_269] {strides = array<i32>} : memref<512x64xf32, #tpu.memory_space<vmem>>, vector<16xf32>,
      %mul3A_271 = arith.mulf %get3A_267, %get3A_270 : vector<16xf32>
      %add3A_272 = arith.addf %add3A_264, %mul3A_271 : vector<16xf32>
      %get3A_273 = arith.index_cast %add3A_246 : i32 to index
      %get3A_274 = arith.constant 48 : index
      %get3A_275 = tpu.vector_load %arg8[%get3A_273, %get3A_274] {strides = array<i32>} : memref<512x64xf32, #tpu.memory_space<vmem>>, vector<16xf32>,
      %get3A_276 = arith.index_cast %add3A_246 : i32 to index
      %get3A_277 = arith.constant 48 : index
      %get3A_278 = tpu.vector_load %arg9[%get3A_276, %get3A_277] {strides = array<i32>} : memref<512x64xf32, #tpu.memory_space<vmem>>, vector<16xf32>,
      %mul3A_279 = arith.mulf %get3A_275, %get3A_278 : vector<16xf32>
      %add3A_280 = arith.addf %add3A_272, %mul3A_279 : vector<16xf32>
      %reduce_sum3A_281 = arith.constant true
      %reduce_sum3A_282 = vector.broadcast %reduce_sum3A_281 : i1 to vector<16xi1>
      %reduce_sum3A_283 = tpu.scan <sum>, %add3A_280 masked %reduce_sum3A_282 : vector<16xf32>, vector<16xi1> -> vector<16xf32>
      %reduce_sum3A_284 = vector.extract %reduce_sum3A_283[15] : f32 from vector<16xf32>
      %eq3A_285 = arith.constant 5 : i32
      %eq3A_286 = vector.broadcast %eq3A_285 : i32 to vector<16xi32>
      %eq3A_287 = arith.cmpi eq, %iota3A, %eq3A_286 : vector<16xi32>
      %broadcast_in_dim3A_288 = vector.broadcast %reduce_sum3A_284 : f32 to vector<16xf32>
      %select_n3A_289 = arith.select %eq3A_287, %broadcast_in_dim3A_288, %select_n3A_244 : vector<16xi1>, vector<16xf32>
      %add3A_290 = arith.constant 6 : i32
      %add3A_291 = arith.addi %mul3A_22, %add3A_290 : i32
      %broadcast_in_dim3A_292 = arith.constant 0.000000e+00 : f32
      %broadcast_in_dim3A_293 = vector.broadcast %broadcast_in_dim3A_292 : f32 to vector<16xf32>
      %get3A_294 = arith.index_cast %add3A_291 : i32 to index
      %get3A_295 = arith.constant 0 : index
      %get3A_296 = tpu.vector_load %arg8[%get3A_294, %get3A_295] {strides = array<i32>} : memref<512x64xf32, #tpu.memory_space<vmem>>, vector<16xf32>,
      %get3A_297 = arith.index_cast %add3A_291 : i32 to index
      %get3A_298 = arith.constant 0 : index
      %get3A_299 = tpu.vector_load %arg9[%get3A_297, %get3A_298] {strides = array<i32>} : memref<512x64xf32, #tpu.memory_space<vmem>>, vector<16xf32>,
      %mul3A_300 = arith.mulf %get3A_296, %get3A_299 : vector<16xf32>
      %add3A_301 = arith.addf %broadcast_in_dim3A_293, %mul3A_300 : vector<16xf32>
      %get3A_302 = arith.index_cast %add3A_291 : i32 to index
      %get3A_303 = arith.constant 16 : index
      %get3A_304 = tpu.vector_load %arg8[%get3A_302, %get3A_303] {strides = array<i32>} : memref<512x64xf32, #tpu.memory_space<vmem>>, vector<16xf32>,
      %get3A_305 = arith.index_cast %add3A_291 : i32 to index
      %get3A_306 = arith.constant 16 : index
      %get3A_307 = tpu.vector_load %arg9[%get3A_305, %get3A_306] {strides = array<i32>} : memref<512x64xf32, #tpu.memory_space<vmem>>, vector<16xf32>,
      %mul3A_308 = arith.mulf %get3A_304, %get3A_307 : vector<16xf32>
      %add3A_309 = arith.addf %add3A_301, %mul3A_308 : vector<16xf32>
      %get3A_310 = arith.index_cast %add3A_291 : i32 to index
      %get3A_311 = arith.constant 32 : index
      %get3A_312 = tpu.vector_load %arg8[%get3A_310, %get3A_311] {strides = array<i32>} : memref<512x64xf32, #tpu.memory_space<vmem>>, vector<16xf32>,
      %get3A_313 = arith.index_cast %add3A_291 : i32 to index
      %get3A_314 = arith.constant 32 : index
      %get3A_315 = tpu.vector_load %arg9[%get3A_313, %get3A_314] {strides = array<i32>} : memref<512x64xf32, #tpu.memory_space<vmem>>, vector<16xf32>,
      %mul3A_316 = arith.mulf %get3A_312, %get3A_315 : vector<16xf32>
      %add3A_317 = arith.addf %add3A_309, %mul3A_316 : vector<16xf32>
      %get3A_318 = arith.index_cast %add3A_291 : i32 to index
      %get3A_319 = arith.constant 48 : index
      %get3A_320 = tpu.vector_load %arg8[%get3A_318, %get3A_319] {strides = array<i32>} : memref<512x64xf32, #tpu.memory_space<vmem>>, vector<16xf32>,
      %get3A_321 = arith.index_cast %add3A_291 : i32 to index
      %get3A_322 = arith.constant 48 : index
      %get3A_323 = tpu.vector_load %arg9[%get3A_321, %get3A_322] {strides = array<i32>} : memref<512x64xf32, #tpu.memory_space<vmem>>, vector<16xf32>,
      %mul3A_324 = arith.mulf %get3A_320, %get3A_323 : vector<16xf32>
      %add3A_325 = arith.addf %add3A_317, %mul3A_324 : vector<16xf32>
      %reduce_sum3A_326 = arith.constant true
      %reduce_sum3A_327 = vector.broadcast %reduce_sum3A_326 : i1 to vector<16xi1>
      %reduce_sum3A_328 = tpu.scan <sum>, %add3A_325 masked %reduce_sum3A_327 : vector<16xf32>, vector<16xi1> -> vector<16xf32>
      %reduce_sum3A_329 = vector.extract %reduce_sum3A_328[15] : f32 from vector<16xf32>
      %eq3A_330 = arith.constant 6 : i32
      %eq3A_331 = vector.broadcast %eq3A_330 : i32 to vector<16xi32>
      %eq3A_332 = arith.cmpi eq, %iota3A, %eq3A_331 : vector<16xi32>
      %broadcast_in_dim3A_333 = vector.broadcast %reduce_sum3A_329 : f32 to vector<16xf32>
      %select_n3A_334 = arith.select %eq3A_332, %broadcast_in_dim3A_333, %select_n3A_289 : vector<16xi1>, vector<16xf32>
      %add3A_335 = arith.constant 7 : i32
      %add3A_336 = arith.addi %mul3A_22, %add3A_335 : i32
      %broadcast_in_dim3A_337 = arith.constant 0.000000e+00 : f32
      %broadcast_in_dim3A_338 = vector.broadcast %broadcast_in_dim3A_337 : f32 to vector<16xf32>
      %get3A_339 = arith.index_cast %add3A_336 : i32 to index
      %get3A_340 = arith.constant 0 : index
      %get3A_341 = tpu.vector_load %arg8[%get3A_339, %get3A_340] {strides = array<i32>} : memref<512x64xf32, #tpu.memory_space<vmem>>, vector<16xf32>,
      %get3A_342 = arith.index_cast %add3A_336 : i32 to index
      %get3A_343 = arith.constant 0 : index
      %get3A_344 = tpu.vector_load %arg9[%get3A_342, %get3A_343] {strides = array<i32>} : memref<512x64xf32, #tpu.memory_space<vmem>>, vector<16xf32>,
      %mul3A_345 = arith.mulf %get3A_341, %get3A_344 : vector<16xf32>
      %add3A_346 = arith.addf %broadcast_in_dim3A_338, %mul3A_345 : vector<16xf32>
      %get3A_347 = arith.index_cast %add3A_336 : i32 to index
      %get3A_348 = arith.constant 16 : index
      %get3A_349 = tpu.vector_load %arg8[%get3A_347, %get3A_348] {strides = array<i32>} : memref<512x64xf32, #tpu.memory_space<vmem>>, vector<16xf32>,
      %get3A_350 = arith.index_cast %add3A_336 : i32 to index
      %get3A_351 = arith.constant 16 : index
      %get3A_352 = tpu.vector_load %arg9[%get3A_350, %get3A_351] {strides = array<i32>} : memref<512x64xf32, #tpu.memory_space<vmem>>, vector<16xf32>,
      %mul3A_353 = arith.mulf %get3A_349, %get3A_352 : vector<16xf32>
      %add3A_354 = arith.addf %add3A_346, %mul3A_353 : vector<16xf32>
      %get3A_355 = arith.index_cast %add3A_336 : i32 to index
      %get3A_356 = arith.constant 32 : index
      %get3A_357 = tpu.vector_load %arg8[%get3A_355, %get3A_356] {strides = array<i32>} : memref<512x64xf32, #tpu.memory_space<vmem>>, vector<16xf32>,
      %get3A_358 = arith.index_cast %add3A_336 : i32 to index
      %get3A_359 = arith.constant 32 : index
      %get3A_360 = tpu.vector_load %arg9[%get3A_358, %get3A_359] {strides = array<i32>} : memref<512x64xf32, #tpu.memory_space<vmem>>, vector<16xf32>,
      %mul3A_361 = arith.mulf %get3A_357, %get3A_360 : vector<16xf32>
      %add3A_362 = arith.addf %add3A_354, %mul3A_361 : vector<16xf32>
      %get3A_363 = arith.index_cast %add3A_336 : i32 to index
      %get3A_364 = arith.constant 48 : index
      %get3A_365 = tpu.vector_load %arg8[%get3A_363, %get3A_364] {strides = array<i32>} : memref<512x64xf32, #tpu.memory_space<vmem>>, vector<16xf32>,
      %get3A_366 = arith.index_cast %add3A_336 : i32 to index
      %get3A_367 = arith.constant 48 : index
      %get3A_368 = tpu.vector_load %arg9[%get3A_366, %get3A_367] {strides = array<i32>} : memref<512x64xf32, #tpu.memory_space<vmem>>, vector<16xf32>,
      %mul3A_369 = arith.mulf %get3A_365, %get3A_368 : vector<16xf32>
      %add3A_370 = arith.addf %add3A_362, %mul3A_369 : vector<16xf32>
      %reduce_sum3A_371 = arith.constant true
      %reduce_sum3A_372 = vector.broadcast %reduce_sum3A_371 : i1 to vector<16xi1>
      %reduce_sum3A_373 = tpu.scan <sum>, %add3A_370 masked %reduce_sum3A_372 : vector<16xf32>, vector<16xi1> -> vector<16xf32>
      %reduce_sum3A_374 = vector.extract %reduce_sum3A_373[15] : f32 from vector<16xf32>
      %eq3A_375 = arith.constant 7 : i32
      %eq3A_376 = vector.broadcast %eq3A_375 : i32 to vector<16xi32>
      %eq3A_377 = arith.cmpi eq, %iota3A, %eq3A_376 : vector<16xi32>
      %broadcast_in_dim3A_378 = vector.broadcast %reduce_sum3A_374 : f32 to vector<16xf32>
      %select_n3A_379 = arith.select %eq3A_377, %broadcast_in_dim3A_378, %select_n3A_334 : vector<16xi1>, vector<16xf32>
      %add3A_380 = arith.constant 8 : i32
      %add3A_381 = arith.addi %mul3A_22, %add3A_380 : i32
      %broadcast_in_dim3A_382 = arith.constant 0.000000e+00 : f32
      %broadcast_in_dim3A_383 = vector.broadcast %broadcast_in_dim3A_382 : f32 to vector<16xf32>
      %get3A_384 = arith.index_cast %add3A_381 : i32 to index
      %get3A_385 = arith.constant 0 : index
      %get3A_386 = tpu.vector_load %arg8[%get3A_384, %get3A_385] {strides = array<i32>} : memref<512x64xf32, #tpu.memory_space<vmem>>, vector<16xf32>,
      %get3A_387 = arith.index_cast %add3A_381 : i32 to index
      %get3A_388 = arith.constant 0 : index
      %get3A_389 = tpu.vector_load %arg9[%get3A_387, %get3A_388] {strides = array<i32>} : memref<512x64xf32, #tpu.memory_space<vmem>>, vector<16xf32>,
      %mul3A_390 = arith.mulf %get3A_386, %get3A_389 : vector<16xf32>
      %add3A_391 = arith.addf %broadcast_in_dim3A_383, %mul3A_390 : vector<16xf32>
      %get3A_392 = arith.index_cast %add3A_381 : i32 to index
      %get3A_393 = arith.constant 16 : index
      %get3A_394 = tpu.vector_load %arg8[%get3A_392, %get3A_393] {strides = array<i32>} : memref<512x64xf32, #tpu.memory_space<vmem>>, vector<16xf32>,
      %get3A_395 = arith.index_cast %add3A_381 : i32 to index
      %get3A_396 = arith.constant 16 : index
      %get3A_397 = tpu.vector_load %arg9[%get3A_395, %get3A_396] {strides = array<i32>} : memref<512x64xf32, #tpu.memory_space<vmem>>, vector<16xf32>,
      %mul3A_398 = arith.mulf %get3A_394, %get3A_397 : vector<16xf32>
      %add3A_399 = arith.addf %add3A_391, %mul3A_398 : vector<16xf32>
      %get3A_400 = arith.index_cast %add3A_381 : i32 to index
      %get3A_401 = arith.constant 32 : index
      %get3A_402 = tpu.vector_load %arg8[%get3A_400, %get3A_401] {strides = array<i32>} : memref<512x64xf32, #tpu.memory_space<vmem>>, vector<16xf32>,
      %get3A_403 = arith.index_cast %add3A_381 : i32 to index
      %get3A_404 = arith.constant 32 : index
      %get3A_405 = tpu.vector_load %arg9[%get3A_403, %get3A_404] {strides = array<i32>} : memref<512x64xf32, #tpu.memory_space<vmem>>, vector<16xf32>,
      %mul3A_406 = arith.mulf %get3A_402, %get3A_405 : vector<16xf32>
      %add3A_407 = arith.addf %add3A_399, %mul3A_406 : vector<16xf32>
      %get3A_408 = arith.index_cast %add3A_381 : i32 to index
      %get3A_409 = arith.constant 48 : index
      %get3A_410 = tpu.vector_load %arg8[%get3A_408, %get3A_409] {strides = array<i32>} : memref<512x64xf32, #tpu.memory_space<vmem>>, vector<16xf32>,
      %get3A_411 = arith.index_cast %add3A_381 : i32 to index
      %get3A_412 = arith.constant 48 : index
      %get3A_413 = tpu.vector_load %arg9[%get3A_411, %get3A_412] {strides = array<i32>} : memref<512x64xf32, #tpu.memory_space<vmem>>, vector<16xf32>,
      %mul3A_414 = arith.mulf %get3A_410, %get3A_413 : vector<16xf32>
      %add3A_415 = arith.addf %add3A_407, %mul3A_414 : vector<16xf32>
      %reduce_sum3A_416 = arith.constant true
      %reduce_sum3A_417 = vector.broadcast %reduce_sum3A_416 : i1 to vector<16xi1>
      %reduce_sum3A_418 = tpu.scan <sum>, %add3A_415 masked %reduce_sum3A_417 : vector<16xf32>, vector<16xi1> -> vector<16xf32>
      %reduce_sum3A_419 = vector.extract %reduce_sum3A_418[15] : f32 from vector<16xf32>
      %eq3A_420 = arith.constant 8 : i32
      %eq3A_421 = vector.broadcast %eq3A_420 : i32 to vector<16xi32>
      %eq3A_422 = arith.cmpi eq, %iota3A, %eq3A_421 : vector<16xi32>
      %broadcast_in_dim3A_423 = vector.broadcast %reduce_sum3A_419 : f32 to vector<16xf32>
      %select_n3A_424 = arith.select %eq3A_422, %broadcast_in_dim3A_423, %select_n3A_379 : vector<16xi1>, vector<16xf32>
      %add3A_425 = arith.constant 9 : i32
      %add3A_426 = arith.addi %mul3A_22, %add3A_425 : i32
      %broadcast_in_dim3A_427 = arith.constant 0.000000e+00 : f32
      %broadcast_in_dim3A_428 = vector.broadcast %broadcast_in_dim3A_427 : f32 to vector<16xf32>
      %get3A_429 = arith.index_cast %add3A_426 : i32 to index
      %get3A_430 = arith.constant 0 : index
      %get3A_431 = tpu.vector_load %arg8[%get3A_429, %get3A_430] {strides = array<i32>} : memref<512x64xf32, #tpu.memory_space<vmem>>, vector<16xf32>,
      %get3A_432 = arith.index_cast %add3A_426 : i32 to index
      %get3A_433 = arith.constant 0 : index
      %get3A_434 = tpu.vector_load %arg9[%get3A_432, %get3A_433] {strides = array<i32>} : memref<512x64xf32, #tpu.memory_space<vmem>>, vector<16xf32>,
      %mul3A_435 = arith.mulf %get3A_431, %get3A_434 : vector<16xf32>
      %add3A_436 = arith.addf %broadcast_in_dim3A_428, %mul3A_435 : vector<16xf32>
      %get3A_437 = arith.index_cast %add3A_426 : i32 to index
      %get3A_438 = arith.constant 16 : index
      %get3A_439 = tpu.vector_load %arg8[%get3A_437, %get3A_438] {strides = array<i32>} : memref<512x64xf32, #tpu.memory_space<vmem>>, vector<16xf32>,
      %get3A_440 = arith.index_cast %add3A_426 : i32 to index
      %get3A_441 = arith.constant 16 : index
      %get3A_442 = tpu.vector_load %arg9[%get3A_440, %get3A_441] {strides = array<i32>} : memref<512x64xf32, #tpu.memory_space<vmem>>, vector<16xf32>,
      %mul3A_443 = arith.mulf %get3A_439, %get3A_442 : vector<16xf32>
      %add3A_444 = arith.addf %add3A_436, %mul3A_443 : vector<16xf32>
      %get3A_445 = arith.index_cast %add3A_426 : i32 to index
      %get3A_446 = arith.constant 32 : index
      %get3A_447 = tpu.vector_load %arg8[%get3A_445, %get3A_446] {strides = array<i32>} : memref<512x64xf32, #tpu.memory_space<vmem>>, vector<16xf32>,
      %get3A_448 = arith.index_cast %add3A_426 : i32 to index
      %get3A_449 = arith.constant 32 : index
      %get3A_450 = tpu.vector_load %arg9[%get3A_448, %get3A_449] {strides = array<i32>} : memref<512x64xf32, #tpu.memory_space<vmem>>, vector<16xf32>,
      %mul3A_451 = arith.mulf %get3A_447, %get3A_450 : vector<16xf32>
      %add3A_452 = arith.addf %add3A_444, %mul3A_451 : vector<16xf32>
      %get3A_453 = arith.index_cast %add3A_426 : i32 to index
      %get3A_454 = arith.constant 48 : index
      %get3A_455 = tpu.vector_load %arg8[%get3A_453, %get3A_454] {strides = array<i32>} : memref<512x64xf32, #tpu.memory_space<vmem>>, vector<16xf32>,
      %get3A_456 = arith.index_cast %add3A_426 : i32 to index
      %get3A_457 = arith.constant 48 : index
      %get3A_458 = tpu.vector_load %arg9[%get3A_456, %get3A_457] {strides = array<i32>} : memref<512x64xf32, #tpu.memory_space<vmem>>, vector<16xf32>,
      %mul3A_459 = arith.mulf %get3A_455, %get3A_458 : vector<16xf32>
      %add3A_460 = arith.addf %add3A_452, %mul3A_459 : vector<16xf32>
      %reduce_sum3A_461 = arith.constant true
      %reduce_sum3A_462 = vector.broadcast %reduce_sum3A_461 : i1 to vector<16xi1>
      %reduce_sum3A_463 = tpu.scan <sum>, %add3A_460 masked %reduce_sum3A_462 : vector<16xf32>, vector<16xi1> -> vector<16xf32>
      %reduce_sum3A_464 = vector.extract %reduce_sum3A_463[15] : f32 from vector<16xf32>
      %eq3A_465 = arith.constant 9 : i32
      %eq3A_466 = vector.broadcast %eq3A_465 : i32 to vector<16xi32>
      %eq3A_467 = arith.cmpi eq, %iota3A, %eq3A_466 : vector<16xi32>
      %broadcast_in_dim3A_468 = vector.broadcast %reduce_sum3A_464 : f32 to vector<16xf32>
      %select_n3A_469 = arith.select %eq3A_467, %broadcast_in_dim3A_468, %select_n3A_424 : vector<16xi1>, vector<16xf32>
      %add3A_470 = arith.constant 10 : i32
      %add3A_471 = arith.addi %mul3A_22, %add3A_470 : i32
      %broadcast_in_dim3A_472 = arith.constant 0.000000e+00 : f32
      %broadcast_in_dim3A_473 = vector.broadcast %broadcast_in_dim3A_472 : f32 to vector<16xf32>
      %get3A_474 = arith.index_cast %add3A_471 : i32 to index
      %get3A_475 = arith.constant 0 : index
      %get3A_476 = tpu.vector_load %arg8[%get3A_474, %get3A_475] {strides = array<i32>} : memref<512x64xf32, #tpu.memory_space<vmem>>, vector<16xf32>,
      %get3A_477 = arith.index_cast %add3A_471 : i32 to index
      %get3A_478 = arith.constant 0 : index
      %get3A_479 = tpu.vector_load %arg9[%get3A_477, %get3A_478] {strides = array<i32>} : memref<512x64xf32, #tpu.memory_space<vmem>>, vector<16xf32>,
      %mul3A_480 = arith.mulf %get3A_476, %get3A_479 : vector<16xf32>
      %add3A_481 = arith.addf %broadcast_in_dim3A_473, %mul3A_480 : vector<16xf32>
      %get3A_482 = arith.index_cast %add3A_471 : i32 to index
      %get3A_483 = arith.constant 16 : index
      %get3A_484 = tpu.vector_load %arg8[%get3A_482, %get3A_483] {strides = array<i32>} : memref<512x64xf32, #tpu.memory_space<vmem>>, vector<16xf32>,
      %get3A_485 = arith.index_cast %add3A_471 : i32 to index
      %get3A_486 = arith.constant 16 : index
      %get3A_487 = tpu.vector_load %arg9[%get3A_485, %get3A_486] {strides = array<i32>} : memref<512x64xf32, #tpu.memory_space<vmem>>, vector<16xf32>,
      %mul3A_488 = arith.mulf %get3A_484, %get3A_487 : vector<16xf32>
      %add3A_489 = arith.addf %add3A_481, %mul3A_488 : vector<16xf32>
      %get3A_490 = arith.index_cast %add3A_471 : i32 to index
      %get3A_491 = arith.constant 32 : index
      %get3A_492 = tpu.vector_load %arg8[%get3A_490, %get3A_491] {strides = array<i32>} : memref<512x64xf32, #tpu.memory_space<vmem>>, vector<16xf32>,
      %get3A_493 = arith.index_cast %add3A_471 : i32 to index
      %get3A_494 = arith.constant 32 : index
      %get3A_495 = tpu.vector_load %arg9[%get3A_493, %get3A_494] {strides = array<i32>} : memref<512x64xf32, #tpu.memory_space<vmem>>, vector<16xf32>,
      %mul3A_496 = arith.mulf %get3A_492, %get3A_495 : vector<16xf32>
      %add3A_497 = arith.addf %add3A_489, %mul3A_496 : vector<16xf32>
      %get3A_498 = arith.index_cast %add3A_471 : i32 to index
      %get3A_499 = arith.constant 48 : index
      %get3A_500 = tpu.vector_load %arg8[%get3A_498, %get3A_499] {strides = array<i32>} : memref<512x64xf32, #tpu.memory_space<vmem>>, vector<16xf32>,
      %get3A_501 = arith.index_cast %add3A_471 : i32 to index
      %get3A_502 = arith.constant 48 : index
      %get3A_503 = tpu.vector_load %arg9[%get3A_501, %get3A_502] {strides = array<i32>} : memref<512x64xf32, #tpu.memory_space<vmem>>, vector<16xf32>,
      %mul3A_504 = arith.mulf %get3A_500, %get3A_503 : vector<16xf32>
      %add3A_505 = arith.addf %add3A_497, %mul3A_504 : vector<16xf32>
      %reduce_sum3A_506 = arith.constant true
      %reduce_sum3A_507 = vector.broadcast %reduce_sum3A_506 : i1 to vector<16xi1>
      %reduce_sum3A_508 = tpu.scan <sum>, %add3A_505 masked %reduce_sum3A_507 : vector<16xf32>, vector<16xi1> -> vector<16xf32>
      %reduce_sum3A_509 = vector.extract %reduce_sum3A_508[15] : f32 from vector<16xf32>
      %eq3A_510 = arith.constant 10 : i32
      %eq3A_511 = vector.broadcast %eq3A_510 : i32 to vector<16xi32>
      %eq3A_512 = arith.cmpi eq, %iota3A, %eq3A_511 : vector<16xi32>
      %broadcast_in_dim3A_513 = vector.broadcast %reduce_sum3A_509 : f32 to vector<16xf32>
      %select_n3A_514 = arith.select %eq3A_512, %broadcast_in_dim3A_513, %select_n3A_469 : vector<16xi1>, vector<16xf32>
      %add3A_515 = arith.constant 11 : i32
      %add3A_516 = arith.addi %mul3A_22, %add3A_515 : i32
      %broadcast_in_dim3A_517 = arith.constant 0.000000e+00 : f32
      %broadcast_in_dim3A_518 = vector.broadcast %broadcast_in_dim3A_517 : f32 to vector<16xf32>
      %get3A_519 = arith.index_cast %add3A_516 : i32 to index
      %get3A_520 = arith.constant 0 : index
      %get3A_521 = tpu.vector_load %arg8[%get3A_519, %get3A_520] {strides = array<i32>} : memref<512x64xf32, #tpu.memory_space<vmem>>, vector<16xf32>,
      %get3A_522 = arith.index_cast %add3A_516 : i32 to index
      %get3A_523 = arith.constant 0 : index
      %get3A_524 = tpu.vector_load %arg9[%get3A_522, %get3A_523] {strides = array<i32>} : memref<512x64xf32, #tpu.memory_space<vmem>>, vector<16xf32>,
      %mul3A_525 = arith.mulf %get3A_521, %get3A_524 : vector<16xf32>
      %add3A_526 = arith.addf %broadcast_in_dim3A_518, %mul3A_525 : vector<16xf32>
      %get3A_527 = arith.index_cast %add3A_516 : i32 to index
      %get3A_528 = arith.constant 16 : index
      %get3A_529 = tpu.vector_load %arg8[%get3A_527, %get3A_528] {strides = array<i32>} : memref<512x64xf32, #tpu.memory_space<vmem>>, vector<16xf32>,
      %get3A_530 = arith.index_cast %add3A_516 : i32 to index
      %get3A_531 = arith.constant 16 : index
      %get3A_532 = tpu.vector_load %arg9[%get3A_530, %get3A_531] {strides = array<i32>} : memref<512x64xf32, #tpu.memory_space<vmem>>, vector<16xf32>,
      %mul3A_533 = arith.mulf %get3A_529, %get3A_532 : vector<16xf32>
      %add3A_534 = arith.addf %add3A_526, %mul3A_533 : vector<16xf32>
      %get3A_535 = arith.index_cast %add3A_516 : i32 to index
      %get3A_536 = arith.constant 32 : index
      %get3A_537 = tpu.vector_load %arg8[%get3A_535, %get3A_536] {strides = array<i32>} : memref<512x64xf32, #tpu.memory_space<vmem>>, vector<16xf32>,
      %get3A_538 = arith.index_cast %add3A_516 : i32 to index
      %get3A_539 = arith.constant 32 : index
      %get3A_540 = tpu.vector_load %arg9[%get3A_538, %get3A_539] {strides = array<i32>} : memref<512x64xf32, #tpu.memory_space<vmem>>, vector<16xf32>,
      %mul3A_541 = arith.mulf %get3A_537, %get3A_540 : vector<16xf32>
      %add3A_542 = arith.addf %add3A_534, %mul3A_541 : vector<16xf32>
      %get3A_543 = arith.index_cast %add3A_516 : i32 to index
      %get3A_544 = arith.constant 48 : index
      %get3A_545 = tpu.vector_load %arg8[%get3A_543, %get3A_544] {strides = array<i32>} : memref<512x64xf32, #tpu.memory_space<vmem>>, vector<16xf32>,
      %get3A_546 = arith.index_cast %add3A_516 : i32 to index
      %get3A_547 = arith.constant 48 : index
      %get3A_548 = tpu.vector_load %arg9[%get3A_546, %get3A_547] {strides = array<i32>} : memref<512x64xf32, #tpu.memory_space<vmem>>, vector<16xf32>,
      %mul3A_549 = arith.mulf %get3A_545, %get3A_548 : vector<16xf32>
      %add3A_550 = arith.addf %add3A_542, %mul3A_549 : vector<16xf32>
      %reduce_sum3A_551 = arith.constant true
      %reduce_sum3A_552 = vector.broadcast %reduce_sum3A_551 : i1 to vector<16xi1>
      %reduce_sum3A_553 = tpu.scan <sum>, %add3A_550 masked %reduce_sum3A_552 : vector<16xf32>, vector<16xi1> -> vector<16xf32>
      %reduce_sum3A_554 = vector.extract %reduce_sum3A_553[15] : f32 from vector<16xf32>
      %eq3A_555 = arith.constant 11 : i32
      %eq3A_556 = vector.broadcast %eq3A_555 : i32 to vector<16xi32>
      %eq3A_557 = arith.cmpi eq, %iota3A, %eq3A_556 : vector<16xi32>
      %broadcast_in_dim3A_558 = vector.broadcast %reduce_sum3A_554 : f32 to vector<16xf32>
      %select_n3A_559 = arith.select %eq3A_557, %broadcast_in_dim3A_558, %select_n3A_514 : vector<16xi1>, vector<16xf32>
      %add3A_560 = arith.constant 12 : i32
      %add3A_561 = arith.addi %mul3A_22, %add3A_560 : i32
      %broadcast_in_dim3A_562 = arith.constant 0.000000e+00 : f32
      %broadcast_in_dim3A_563 = vector.broadcast %broadcast_in_dim3A_562 : f32 to vector<16xf32>
      %get3A_564 = arith.index_cast %add3A_561 : i32 to index
      %get3A_565 = arith.constant 0 : index
      %get3A_566 = tpu.vector_load %arg8[%get3A_564, %get3A_565] {strides = array<i32>} : memref<512x64xf32, #tpu.memory_space<vmem>>, vector<16xf32>,
      %get3A_567 = arith.index_cast %add3A_561 : i32 to index
      %get3A_568 = arith.constant 0 : index
      %get3A_569 = tpu.vector_load %arg9[%get3A_567, %get3A_568] {strides = array<i32>} : memref<512x64xf32, #tpu.memory_space<vmem>>, vector<16xf32>,
      %mul3A_570 = arith.mulf %get3A_566, %get3A_569 : vector<16xf32>
      %add3A_571 = arith.addf %broadcast_in_dim3A_563, %mul3A_570 : vector<16xf32>
      %get3A_572 = arith.index_cast %add3A_561 : i32 to index
      %get3A_573 = arith.constant 16 : index
      %get3A_574 = tpu.vector_load %arg8[%get3A_572, %get3A_573] {strides = array<i32>} : memref<512x64xf32, #tpu.memory_space<vmem>>, vector<16xf32>,
      %get3A_575 = arith.index_cast %add3A_561 : i32 to index
      %get3A_576 = arith.constant 16 : index
      %get3A_577 = tpu.vector_load %arg9[%get3A_575, %get3A_576] {strides = array<i32>} : memref<512x64xf32, #tpu.memory_space<vmem>>, vector<16xf32>,
      %mul3A_578 = arith.mulf %get3A_574, %get3A_577 : vector<16xf32>
      %add3A_579 = arith.addf %add3A_571, %mul3A_578 : vector<16xf32>
      %get3A_580 = arith.index_cast %add3A_561 : i32 to index
      %get3A_581 = arith.constant 32 : index
      %get3A_582 = tpu.vector_load %arg8[%get3A_580, %get3A_581] {strides = array<i32>} : memref<512x64xf32, #tpu.memory_space<vmem>>, vector<16xf32>,
      %get3A_583 = arith.index_cast %add3A_561 : i32 to index
      %get3A_584 = arith.constant 32 : index
      %get3A_585 = tpu.vector_load %arg9[%get3A_583, %get3A_584] {strides = array<i32>} : memref<512x64xf32, #tpu.memory_space<vmem>>, vector<16xf32>,
      %mul3A_586 = arith.mulf %get3A_582, %get3A_585 : vector<16xf32>
      %add3A_587 = arith.addf %add3A_579, %mul3A_586 : vector<16xf32>
      %get3A_588 = arith.index_cast %add3A_561 : i32 to index
      %get3A_589 = arith.constant 48 : index
      %get3A_590 = tpu.vector_load %arg8[%get3A_588, %get3A_589] {strides = array<i32>} : memref<512x64xf32, #tpu.memory_space<vmem>>, vector<16xf32>,
      %get3A_591 = arith.index_cast %add3A_561 : i32 to index
      %get3A_592 = arith.constant 48 : index
      %get3A_593 = tpu.vector_load %arg9[%get3A_591, %get3A_592] {strides = array<i32>} : memref<512x64xf32, #tpu.memory_space<vmem>>, vector<16xf32>,
      %mul3A_594 = arith.mulf %get3A_590, %get3A_593 : vector<16xf32>
      %add3A_595 = arith.addf %add3A_587, %mul3A_594 : vector<16xf32>
      %reduce_sum3A_596 = arith.constant true
      %reduce_sum3A_597 = vector.broadcast %reduce_sum3A_596 : i1 to vector<16xi1>
      %reduce_sum3A_598 = tpu.scan <sum>, %add3A_595 masked %reduce_sum3A_597 : vector<16xf32>, vector<16xi1> -> vector<16xf32>
      %reduce_sum3A_599 = vector.extract %reduce_sum3A_598[15] : f32 from vector<16xf32>
      %eq3A_600 = arith.constant 12 : i32
      %eq3A_601 = vector.broadcast %eq3A_600 : i32 to vector<16xi32>
      %eq3A_602 = arith.cmpi eq, %iota3A, %eq3A_601 : vector<16xi32>
      %broadcast_in_dim3A_603 = vector.broadcast %reduce_sum3A_599 : f32 to vector<16xf32>
      %select_n3A_604 = arith.select %eq3A_602, %broadcast_in_dim3A_603, %select_n3A_559 : vector<16xi1>, vector<16xf32>
      %add3A_605 = arith.constant 13 : i32
      %add3A_606 = arith.addi %mul3A_22, %add3A_605 : i32
      %broadcast_in_dim3A_607 = arith.constant 0.000000e+00 : f32
      %broadcast_in_dim3A_608 = vector.broadcast %broadcast_in_dim3A_607 : f32 to vector<16xf32>
      %get3A_609 = arith.index_cast %add3A_606 : i32 to index
      %get3A_610 = arith.constant 0 : index
      %get3A_611 = tpu.vector_load %arg8[%get3A_609, %get3A_610] {strides = array<i32>} : memref<512x64xf32, #tpu.memory_space<vmem>>, vector<16xf32>,
      %get3A_612 = arith.index_cast %add3A_606 : i32 to index
      %get3A_613 = arith.constant 0 : index
      %get3A_614 = tpu.vector_load %arg9[%get3A_612, %get3A_613] {strides = array<i32>} : memref<512x64xf32, #tpu.memory_space<vmem>>, vector<16xf32>,
      %mul3A_615 = arith.mulf %get3A_611, %get3A_614 : vector<16xf32>
      %add3A_616 = arith.addf %broadcast_in_dim3A_608, %mul3A_615 : vector<16xf32>
      %get3A_617 = arith.index_cast %add3A_606 : i32 to index
      %get3A_618 = arith.constant 16 : index
      %get3A_619 = tpu.vector_load %arg8[%get3A_617, %get3A_618] {strides = array<i32>} : memref<512x64xf32, #tpu.memory_space<vmem>>, vector<16xf32>,
      %get3A_620 = arith.index_cast %add3A_606 : i32 to index
      %get3A_621 = arith.constant 16 : index
      %get3A_622 = tpu.vector_load %arg9[%get3A_620, %get3A_621] {strides = array<i32>} : memref<512x64xf32, #tpu.memory_space<vmem>>, vector<16xf32>,
      %mul3A_623 = arith.mulf %get3A_619, %get3A_622 : vector<16xf32>
      %add3A_624 = arith.addf %add3A_616, %mul3A_623 : vector<16xf32>
      %get3A_625 = arith.index_cast %add3A_606 : i32 to index
      %get3A_626 = arith.constant 32 : index
      %get3A_627 = tpu.vector_load %arg8[%get3A_625, %get3A_626] {strides = array<i32>} : memref<512x64xf32, #tpu.memory_space<vmem>>, vector<16xf32>,
      %get3A_628 = arith.index_cast %add3A_606 : i32 to index
      %get3A_629 = arith.constant 32 : index
      %get3A_630 = tpu.vector_load %arg9[%get3A_628, %get3A_629] {strides = array<i32>} : memref<512x64xf32, #tpu.memory_space<vmem>>, vector<16xf32>,
      %mul3A_631 = arith.mulf %get3A_627, %get3A_630 : vector<16xf32>
      %add3A_632 = arith.addf %add3A_624, %mul3A_631 : vector<16xf32>
      %get3A_633 = arith.index_cast %add3A_606 : i32 to index
      %get3A_634 = arith.constant 48 : index
      %get3A_635 = tpu.vector_load %arg8[%get3A_633, %get3A_634] {strides = array<i32>} : memref<512x64xf32, #tpu.memory_space<vmem>>, vector<16xf32>,
      %get3A_636 = arith.index_cast %add3A_606 : i32 to index
      %get3A_637 = arith.constant 48 : index
      %get3A_638 = tpu.vector_load %arg9[%get3A_636, %get3A_637] {strides = array<i32>} : memref<512x64xf32, #tpu.memory_space<vmem>>, vector<16xf32>,
      %mul3A_639 = arith.mulf %get3A_635, %get3A_638 : vector<16xf32>
      %add3A_640 = arith.addf %add3A_632, %mul3A_639 : vector<16xf32>
      %reduce_sum3A_641 = arith.constant true
      %reduce_sum3A_642 = vector.broadcast %reduce_sum3A_641 : i1 to vector<16xi1>
      %reduce_sum3A_643 = tpu.scan <sum>, %add3A_640 masked %reduce_sum3A_642 : vector<16xf32>, vector<16xi1> -> vector<16xf32>
      %reduce_sum3A_644 = vector.extract %reduce_sum3A_643[15] : f32 from vector<16xf32>
      %eq3A_645 = arith.constant 13 : i32
      %eq3A_646 = vector.broadcast %eq3A_645 : i32 to vector<16xi32>
      %eq3A_647 = arith.cmpi eq, %iota3A, %eq3A_646 : vector<16xi32>
      %broadcast_in_dim3A_648 = vector.broadcast %reduce_sum3A_644 : f32 to vector<16xf32>
      %select_n3A_649 = arith.select %eq3A_647, %broadcast_in_dim3A_648, %select_n3A_604 : vector<16xi1>, vector<16xf32>
      %add3A_650 = arith.constant 14 : i32
      %add3A_651 = arith.addi %mul3A_22, %add3A_650 : i32
      %broadcast_in_dim3A_652 = arith.constant 0.000000e+00 : f32
      %broadcast_in_dim3A_653 = vector.broadcast %broadcast_in_dim3A_652 : f32 to vector<16xf32>
      %get3A_654 = arith.index_cast %add3A_651 : i32 to index
      %get3A_655 = arith.constant 0 : index
      %get3A_656 = tpu.vector_load %arg8[%get3A_654, %get3A_655] {strides = array<i32>} : memref<512x64xf32, #tpu.memory_space<vmem>>, vector<16xf32>,
      %get3A_657 = arith.index_cast %add3A_651 : i32 to index
      %get3A_658 = arith.constant 0 : index
      %get3A_659 = tpu.vector_load %arg9[%get3A_657, %get3A_658] {strides = array<i32>} : memref<512x64xf32, #tpu.memory_space<vmem>>, vector<16xf32>,
      %mul3A_660 = arith.mulf %get3A_656, %get3A_659 : vector<16xf32>
      %add3A_661 = arith.addf %broadcast_in_dim3A_653, %mul3A_660 : vector<16xf32>
      %get3A_662 = arith.index_cast %add3A_651 : i32 to index
      %get3A_663 = arith.constant 16 : index
      %get3A_664 = tpu.vector_load %arg8[%get3A_662, %get3A_663] {strides = array<i32>} : memref<512x64xf32, #tpu.memory_space<vmem>>, vector<16xf32>,
      %get3A_665 = arith.index_cast %add3A_651 : i32 to index
      %get3A_666 = arith.constant 16 : index
      %get3A_667 = tpu.vector_load %arg9[%get3A_665, %get3A_666] {strides = array<i32>} : memref<512x64xf32, #tpu.memory_space<vmem>>, vector<16xf32>,
      %mul3A_668 = arith.mulf %get3A_664, %get3A_667 : vector<16xf32>
      %add3A_669 = arith.addf %add3A_661, %mul3A_668 : vector<16xf32>
      %get3A_670 = arith.index_cast %add3A_651 : i32 to index
      %get3A_671 = arith.constant 32 : index
      %get3A_672 = tpu.vector_load %arg8[%get3A_670, %get3A_671] {strides = array<i32>} : memref<512x64xf32, #tpu.memory_space<vmem>>, vector<16xf32>,
      %get3A_673 = arith.index_cast %add3A_651 : i32 to index
      %get3A_674 = arith.constant 32 : index
      %get3A_675 = tpu.vector_load %arg9[%get3A_673, %get3A_674] {strides = array<i32>} : memref<512x64xf32, #tpu.memory_space<vmem>>, vector<16xf32>,
      %mul3A_676 = arith.mulf %get3A_672, %get3A_675 : vector<16xf32>
      %add3A_677 = arith.addf %add3A_669, %mul3A_676 : vector<16xf32>
      %get3A_678 = arith.index_cast %add3A_651 : i32 to index
      %get3A_679 = arith.constant 48 : index
      %get3A_680 = tpu.vector_load %arg8[%get3A_678, %get3A_679] {strides = array<i32>} : memref<512x64xf32, #tpu.memory_space<vmem>>, vector<16xf32>,
      %get3A_681 = arith.index_cast %add3A_651 : i32 to index
      %get3A_682 = arith.constant 48 : index
      %get3A_683 = tpu.vector_load %arg9[%get3A_681, %get3A_682] {strides = array<i32>} : memref<512x64xf32, #tpu.memory_space<vmem>>, vector<16xf32>,
      %mul3A_684 = arith.mulf %get3A_680, %get3A_683 : vector<16xf32>
      %add3A_685 = arith.addf %add3A_677, %mul3A_684 : vector<16xf32>
      %reduce_sum3A_686 = arith.constant true
      %reduce_sum3A_687 = vector.broadcast %reduce_sum3A_686 : i1 to vector<16xi1>
      %reduce_sum3A_688 = tpu.scan <sum>, %add3A_685 masked %reduce_sum3A_687 : vector<16xf32>, vector<16xi1> -> vector<16xf32>
      %reduce_sum3A_689 = vector.extract %reduce_sum3A_688[15] : f32 from vector<16xf32>
      %eq3A_690 = arith.constant 14 : i32
      %eq3A_691 = vector.broadcast %eq3A_690 : i32 to vector<16xi32>
      %eq3A_692 = arith.cmpi eq, %iota3A, %eq3A_691 : vector<16xi32>
      %broadcast_in_dim3A_693 = vector.broadcast %reduce_sum3A_689 : f32 to vector<16xf32>
      %select_n3A_694 = arith.select %eq3A_692, %broadcast_in_dim3A_693, %select_n3A_649 : vector<16xi1>, vector<16xf32>
      %add3A_695 = arith.constant 15 : i32
      %add3A_696 = arith.addi %mul3A_22, %add3A_695 : i32
      %broadcast_in_dim3A_697 = arith.constant 0.000000e+00 : f32
      %broadcast_in_dim3A_698 = vector.broadcast %broadcast_in_dim3A_697 : f32 to vector<16xf32>
      %get3A_699 = arith.index_cast %add3A_696 : i32 to index
      %get3A_700 = arith.constant 0 : index
      %get3A_701 = tpu.vector_load %arg8[%get3A_699, %get3A_700] {strides = array<i32>} : memref<512x64xf32, #tpu.memory_space<vmem>>, vector<16xf32>,
      %get3A_702 = arith.index_cast %add3A_696 : i32 to index
      %get3A_703 = arith.constant 0 : index
      %get3A_704 = tpu.vector_load %arg9[%get3A_702, %get3A_703] {strides = array<i32>} : memref<512x64xf32, #tpu.memory_space<vmem>>, vector<16xf32>,
      %mul3A_705 = arith.mulf %get3A_701, %get3A_704 : vector<16xf32>
      %add3A_706 = arith.addf %broadcast_in_dim3A_698, %mul3A_705 : vector<16xf32>
      %get3A_707 = arith.index_cast %add3A_696 : i32 to index
      %get3A_708 = arith.constant 16 : index
      %get3A_709 = tpu.vector_load %arg8[%get3A_707, %get3A_708] {strides = array<i32>} : memref<512x64xf32, #tpu.memory_space<vmem>>, vector<16xf32>,
      %get3A_710 = arith.index_cast %add3A_696 : i32 to index
      %get3A_711 = arith.constant 16 : index
      %get3A_712 = tpu.vector_load %arg9[%get3A_710, %get3A_711] {strides = array<i32>} : memref<512x64xf32, #tpu.memory_space<vmem>>, vector<16xf32>,
      %mul3A_713 = arith.mulf %get3A_709, %get3A_712 : vector<16xf32>
      %add3A_714 = arith.addf %add3A_706, %mul3A_713 : vector<16xf32>
      %get3A_715 = arith.index_cast %add3A_696 : i32 to index
      %get3A_716 = arith.constant 32 : index
      %get3A_717 = tpu.vector_load %arg8[%get3A_715, %get3A_716] {strides = array<i32>} : memref<512x64xf32, #tpu.memory_space<vmem>>, vector<16xf32>,
      %get3A_718 = arith.index_cast %add3A_696 : i32 to index
      %get3A_719 = arith.constant 32 : index
      %get3A_720 = tpu.vector_load %arg9[%get3A_718, %get3A_719] {strides = array<i32>} : memref<512x64xf32, #tpu.memory_space<vmem>>, vector<16xf32>,
      %mul3A_721 = arith.mulf %get3A_717, %get3A_720 : vector<16xf32>
      %add3A_722 = arith.addf %add3A_714, %mul3A_721 : vector<16xf32>
      %get3A_723 = arith.index_cast %add3A_696 : i32 to index
      %get3A_724 = arith.constant 48 : index
      %get3A_725 = tpu.vector_load %arg8[%get3A_723, %get3A_724] {strides = array<i32>} : memref<512x64xf32, #tpu.memory_space<vmem>>, vector<16xf32>,
      %get3A_726 = arith.index_cast %add3A_696 : i32 to index
      %get3A_727 = arith.constant 48 : index
      %get3A_728 = tpu.vector_load %arg9[%get3A_726, %get3A_727] {strides = array<i32>} : memref<512x64xf32, #tpu.memory_space<vmem>>, vector<16xf32>,
      %mul3A_729 = arith.mulf %get3A_725, %get3A_728 : vector<16xf32>
      %add3A_730 = arith.addf %add3A_722, %mul3A_729 : vector<16xf32>
      %reduce_sum3A_731 = arith.constant true
      %reduce_sum3A_732 = vector.broadcast %reduce_sum3A_731 : i1 to vector<16xi1>
      %reduce_sum3A_733 = tpu.scan <sum>, %add3A_730 masked %reduce_sum3A_732 : vector<16xf32>, vector<16xi1> -> vector<16xf32>
      %reduce_sum3A_734 = vector.extract %reduce_sum3A_733[15] : f32 from vector<16xf32>
      %eq3A_735 = arith.constant 15 : i32
      %eq3A_736 = vector.broadcast %eq3A_735 : i32 to vector<16xi32>
      %eq3A_737 = arith.cmpi eq, %iota3A, %eq3A_736 : vector<16xi32>
      %broadcast_in_dim3A_738 = vector.broadcast %reduce_sum3A_734 : f32 to vector<16xf32>
      %select_n3A_739 = arith.select %eq3A_737, %broadcast_in_dim3A_738, %select_n3A_694 : vector<16xi1>, vector<16xf32>
      %swap3A = arith.index_cast %mul3A_22 : i32 to index
      %swap3A_740 = tpu.vector_load %arg10[%swap3A] {strides = array<i32>} : memref<512xf32, #tpu.memory_space<vmem>>, vector<16xf32>,
      tpu.vector_store %arg10[%swap3A], %select_n3A_739 {strides = array<i32>} : memref<512xf32, #tpu.memory_space<vmem>>, vector<16xf32>,
      %scan3A_741 = arith.constant 0 : i32
      scf.yield %scan3A_741 : i32
    }
    %scan3A_18 = arith.constant 32 : i32
    "tpu.region"() ({
      %run_scoped3A = tpu.sem_alloc : memref<!tpu.dma_semaphore, #tpu.memory_space<semaphore_mem>>
      %dma_start3A_19 = tpu.memref_slice %arg5[%mul3A_2] : memref<16384xf32, #tpu.memory_space<hbm>> -> memref<512xf32, #tpu.memory_space<hbm>>
      %dma_start3A_20 = tpu.memref_slice %arg5[%mul3A_2] : memref<16384xf32, #tpu.memory_space<hbm>> -> memref<512xf32, #tpu.memory_space<hbm>>
      tpu.enqueue_dma source(%arg10 : memref<512xf32, #tpu.memory_space<vmem>>) target(%dma_start3A_20 : memref<512xf32, #tpu.memory_space<hbm>>) target_semaphore(%run_scoped3A : memref<!tpu.dma_semaphore, #tpu.memory_space<semaphore_mem>>)
      %dma_wait3A_21 = tpu.memref_slice %arg5[%mul3A_2] : memref<16384xf32, #tpu.memory_space<hbm>> -> memref<512xf32, #tpu.memory_space<hbm>>
      %dma_wait3A_22 = tpu.memref_slice %arg5[%mul3A_2] : memref<16384xf32, #tpu.memory_space<hbm>> -> memref<512xf32, #tpu.memory_space<hbm>>
      tpu.wait_dma2 semaphore(%run_scoped3A : memref<!tpu.dma_semaphore, #tpu.memory_space<semaphore_mem>>) src(%arg10 : memref<512xf32, #tpu.memory_space<vmem>>) dst(%dma_wait3A_22 : memref<512xf32, #tpu.memory_space<hbm>>)
      tpu.yield
    }) : () -> ()
    return
  }
}

</mosaic_0001>

<sc_bundles>
// kernel: _ultragcn_sc.3.cloned.1.call-start
scs
__scs_entry_jumppad:
0x0: {  	(pc) =	sbr.rel $0x88, $3  }
0x1: {  	(tag) =	ssettag $0x0;
	lr =	simm.s32 $0x1  }
0x2: {  	[smem:$0x3F9E] =	sst lr;
	_ =	strace $0xD0000000  }
0x3: {  	_ = 	snop  }
0x4: {  	_ = 	snop  }
0x5: {  	_ = 	snop  }
0x6: {  	_ = 	snop  }
0x7: {  	_ = 	snop  }
__scs_overlays_trampoline_lowered:
0x8: {  	[smem:$0x3FAD] =	sst s0  }
0x9: {  	[smem:$0x3FAE] =	sst s1  }
0xa: {  	[smem:$0x3FAF] =	sst s2  }
0xb: {  	[smem:$0x3FB0] =	sst s3  }
0xc: {  	[smem:$0x3FB1] =	sst s4  }
0xd: {  	[smem:$0x3FB2] =	sst s5  }
0xe: {  	[smem:$0x3FB3] =	sst s6  }
0xf: {  	[smem:$0x3FB4] =	sst s7  }
0x10: {  	[smem:$0x3FB5] =	sst s8  }
0x11: {  	[smem:$0x3FB6] =	sst s9;
	s0 =	simm.s32 @!p0 $0x0  }
0x12: {  	s1 =	sld [smem:$0x3F9C];
	s0 =	simm.s32 @p0 $0x1  }
0x13: {  	[smem:$0x3FB7] =	sst s0;
	s0 =	simm.s32 @!p1 $0x0  }
0x14: {  	s2 =	sld [smem:$0x3F9B];
	s0 =	simm.s32 @p1 $0x1  }
0x15: {  	[smem:$0x3FB8] =	sst s0;
	s0 =	simm.s32 @!p2 $0x0  }
0x16: {  	s3 =	sld [smem:$0x3FDB];
	s0 =	simm.s32 @p2 $0x1  }
0x17: {  	s4 =	simm.s32 $0x1BF5;
	[smem:$0x3FBA] =	sst s0  }
0x18: {  	s0 =	sld [smem:$0x3F9D];
	_ =	swait.ge [sflag:s4], $0x0  }
0x19: {  	s7 =	sld [smem:$0x3F9E]  }
0x1a: {  	s8 =	sadd.s32 $0xFFFFE003, lr  }
0x1b: {  	s9 =	sadd.s32 $0xFFFFFEF7, lr;
	s5 =	simm.s32 $0xFFFFFFFF;
	p2 =	slt.u32 s8, $0xFFFFF086  }
0x1c: {  	p1 =	slt.u32 s9, $0xF7A;
	s5 =	simm.s32 @!p2 $0x0  }
0x1d: {  	s5 =	simm.s32 @p1 $0x1;
	p0 =	seq.s32 s7, s2  }
0x1e: {  	s7 =	smul.u32 @!p0 $0xF7A, s2;
	p2 =	seq.s32 @!p0 s5, $0x0  }
0x1f: {  	s9 =	smul.u32 $0xF7A, s1;
	s8 =	simm.s32 @!p0 $0x1BF5;
	p2 =	por !p2, p0  }
0x20: {  	[sflag:s8] =	ssyncset.s32 @!p0 $0xFFFFF086;
	s6 =	sadd.s32 @!p0 s3, s7;
	s7 =	simm.s32 @!p0 $0x108  }
0x21: {  	s3 =	sadd.s32 s3, s9;
	s6 =	sadd.s32 @!p0 $0x88, s6;
	s7 =	simm.s32 @p2 $0x1082  }
0x22: {  	[simem:s7], [sflag:s8] =	dma.local @!p0 [hbm:s6], $0xF7A  }
0x23: {  	s9 =	sor.u32 $0xD0000000, s2;
	s6 =	simm.s32 $0x108;
	_ =	swait.ge @!p0 [sflag:s8], $0x0  }
0x24: {  	s3 =	sadd.s32 $0x88, s3;
	s6 =	simm.s32 @!p1 $0x1082;
	[sflag:s4] =	ssyncset.s32 $0xFFFFF086  }
0x25: {  	[simem:s6], [sflag:s4] =	dma.local [hbm:s3], $0xF7A  }
0x26: {  	[smem:$0x3F9E] =	sst s1;
	(tag) =	ssettag s2;
	_ =	strace s9  }
0x27: {  	s1 =	sld [smem:$0x3FAE]  }
0x28: {  	s2 =	sld [smem:$0x3FAF]  }
0x29: {  	s4 =	sld [smem:$0x3FB1]  }
0x2a: {  	p0 =	seq.s32 s5, $0x0;
	s5 =	sld [smem:$0x3FB2]  }
0x2b: {  	s6 =	sld [smem:$0x3FB3]  }
0x2c: {  	s7 =	sld [smem:$0x3FB4]  }
0x2d: {  	s3 =	simm.s32 $0x108;
	s8 =	sld [smem:$0x3FB5]  }
0x2e: {  	s3 =	simm.s32 @!p0 $0x1082;
	s9 =	sld [smem:$0x3FB6]  }
0x2f: {  	lr =	sadd.s32 s0, s3;
	s0 =	sld [smem:$0x3FAD]  }
0x30: {  	s3 =	sld [smem:$0x3FB0]  }
0x31: {  	[smem:$0x3FB9] =	sst s10  }
0x32: {  	s10 =	sld [smem:$0x3FB7];
	_ =	sdelay $0x3  }
0x33: {  	p0 =	seq.s32 s10, $0x1;
	s10 =	sld [smem:$0x3FB9];
	_ =	sdelay $0x3  }
0x34: {  	[smem:$0x3FB9] =	sst s10  }
0x35: {  	s10 =	sld [smem:$0x3FB8];
	_ =	sdelay $0x3  }
0x36: {  	p1 =	seq.s32 s10, $0x1;
	s10 =	sld [smem:$0x3FB9];
	_ =	sdelay $0x3  }
0x37: {  	[smem:$0x3FB9] =	sst s10  }
0x38: {  	s10 =	sld [smem:$0x3FBA]  }
0x39: {  	_ = 	snop;
	(pc) =	sbr.ind lr, $3  }
0x3a: {  	_ = 	snop  }
0x3b: {  	_ = 	snop  }
0x3c: {  	p2 =	seq.s32 s10, $0x1;
	s10 =	sld [smem:$0x3FB9]  }
0x3d: {  	_ =	shalt  }
0x3e: {  	_ =	shalt  }
0x3f: {  	_ =	shalt  }
0x40: {  	_ =	shalt  }
0x41: {  	_ =	shalt  }
0x42: {  	_ =	shalt  }
0x43: {  	_ =	shalt  }
0x44: {  	_ =	shalt  }
0x45: {  	_ =	shalt  }
0x46: {  	_ =	shalt  }
0x47: {  	_ =	shalt  }
0x48: {  	_ =	shalt  }
0x49: {  	_ =	shalt  }
0x4a: {  	_ =	shalt  }
0x4b: {  	_ =	shalt  }
0x4c: {  	_ =	shalt  }
0x4d: {  	_ =	shalt  }
0x4e: {  	_ =	shalt  }
0x4f: {  	_ =	shalt  }
0x50: {  	_ =	shalt  }
0x51: {  	_ =	shalt  }
0x52: {  	_ =	shalt  }
0x53: {  	_ =	shalt  }
0x54: {  	_ =	shalt  }
0x55: {  	_ =	shalt  }
0x56: {  	_ =	shalt  }
0x57: {  	_ =	shalt  }
0x58: {  	_ =	shalt  }
0x59: {  	_ =	shalt  }
0x5a: {  	_ =	shalt  }
0x5b: {  	_ =	shalt  }
0x5c: {  	_ =	shalt  }
0x5d: {  	_ =	shalt  }
0x5e: {  	_ =	shalt  }
0x5f: {  	_ =	shalt  }
0x60: {  	_ =	shalt  }
0x61: {  	_ =	shalt  }
0x62: {  	_ =	shalt  }
0x63: {  	_ =	shalt  }
0x64: {  	_ =	shalt  }
0x65: {  	_ =	shalt  }
0x66: {  	_ =	shalt  }
0x67: {  	_ =	shalt  }
0x68: {  	_ =	shalt  }
0x69: {  	_ =	shalt  }
0x6a: {  	_ =	shalt  }
0x6b: {  	_ =	shalt  }
0x6c: {  	_ =	shalt  }
0x6d: {  	_ =	shalt  }
0x6e: {  	_ =	shalt  }
0x6f: {  	_ =	shalt  }
0x70: {  	_ =	shalt  }
0x71: {  	_ =	shalt  }
0x72: {  	_ =	shalt  }
0x73: {  	_ =	shalt  }
0x74: {  	_ =	shalt  }
0x75: {  	_ =	shalt  }
0x76: {  	_ =	shalt  }
0x77: {  	_ =	shalt  }
0x78: {  	_ =	shalt  }
0x79: {  	_ =	shalt  }
0x7a: {  	_ =	shalt  }
0x7b: {  	_ =	shalt  }
0x7c: {  	_ =	shalt  }
0x7d: {  	_ =	shalt  }
0x7e: {  	_ =	shalt  }
0x7f: {  	_ =	shalt  }
0x80: {  	_ =	shalt  }
0x81: {  	_ =	shalt  }
0x82: {  	_ =	shalt  }
0x83: {  	_ =	shalt  }
0x84: {  	_ =	shalt  }
0x85: {  	_ =	shalt  }
0x86: {  	_ =	shalt  }
0x87: {  	_ =	shalt  }
.Lfunc_end0:
.L_simem_size_0:
called_computation_lowered:
.L_overlay_start_0:
0x88: {  	s2 =	sld [smem:$0x3FD9]  }
0x89: {  	s3 =	sld [smem:$0x3FFE];
	_ =	sdelay $0x1  }
0x8a: {  	s1 =	srdreg.scid  }
0x8b: {  	s0 =	sand.u32 $0x1, s1  }
0x8c: {  	s17 =	sshll.u32 s0, $0xA;
	s2 =	sadd.s32 s3, s2  }
0x8d: {  	s2 =	sadd.s32 s2, s17  }
0x8e: {  	[smem:$0x3FC5] =	sst s2  }
0x8f: {  	_ = 	snop  }
0x90: {  	s2 =	sld [smem:$0x3FC9]  }
0x91: {  	s18 =	sld [smem:$0x3FC8]  }
0x92: {  	s4 =	sld [smem:$0x3FD0];
	(tm) =	ssettm $0x1  }
0x93: {  	s5 =	sld [smem:$0x3FFB];
	_ =	sdelay $0x3  }
0x94: {  	_ =	strace s5  }
0x95: {  	s5 =	sld [smem:$0x3FFC];
	_ =	sdelay $0x3  }
0x96: {  	_ =	strace s5  }
0x97: {  	s5 =	sld [smem:$0x3FFD];
	_ =	sdelay $0x3  }
0x98: {  	_ =	strace s5  }
0x99: {  	_ =	strace $0x8FFFFFFF  }
0x9a: {  	s19 =	sld [smem:$0x3FDB];
	_ =	sdelay $0x1  }
0x9b: {  	s6 =	simm.s32 $_scs_section_size  }
0x9c: {  	s7 =	simm.s32 $_size__tile_overlayer_lowered;
	s8 =	simm.s32 $_tile_overlayer_lowered  }
0x9d: {  	s22 =	simm.s32 $0x1BFF;
	s21 =	sshll.u32 s8, $0x1;
	s5 =	sadd.s32 s6, s19  }
0x9e: {  	s9 =	simm.s32 $0x0;
	s20 =	sshll.u32 s7, $0x1;
	s7 =	sadd.s32 s21, s5  }
0x9f: {  	[timem:s9], [sflag:s22] =	dma.local [hbm:s7], s20  }
0xa0: {  	_ =	swait.ge [sflag:s22], s20  }
0xa1: {  	s6 =	ssub.s32 $0x0, s20;
	[sflag:s22] =	ssyncset.done $0x0  }
0xa2: {  	[sflag:s22] =	ssyncadd.s32 s6;
	_ =	sdelay $0x1  }
0xa3: {  	s23 =	simm.s32 $0x1B8B  }
0xa4: {  	_ =	swait.ge [sflag:s23], $0x1  }
0xa5: {  	[sflag:s23] =	ssyncset.done $0x0  }
0xa6: {  	s25 =	simm.s32 $0x1B8E;
	s24 =	sld [smem:$0x3FFE];
	[sflag:s23] =	ssyncadd.s32 $0xFFFFFFFF  }
0xa7: {  	s26 =	simm.s32 $execute0_lowered;
	[smem:$0x3FD2] =	sst s25  }
0xa8: {  	s7 =	sshll.u32 s26, $0x1;
	_ =	strace $0x80000046;
	[dreg:$0x1] =	wrdreg $0xFFFFFFFF  }
0xa9: {  	s28 =	simm.s32 $_size_execute0_lowered;
	s5 =	sadd.s32 s5, s7;
	[dreg:$0x0] =	wrdreg $0x0  }
0xaa: {  	s7 =	sshll.u32 s28, $0x1;
	[dreg:$0x2] =	wrdreg s5  }
0xab: {  	[dreg:$0x3] =	wrdreg s7  }
0xac: {  	[dreg:$0x4] =	wrdreg $0xC0  }
0xad: {  	_ =	task [dreg:s9], $0x5FFFF  }
0xae: {  	[dreg:$0x1] =	wrdreg $0xFFFFFFFF  }
0xaf: {  	[dreg:$0x0] =	wrdreg $0x60  }
0xb0: {  	[dreg:$0x2] =	wrdreg s2  }
0xb1: {  	[dreg:$0x3] =	wrdreg s18  }
0xb2: {  	[dreg:$0x4] =	wrdreg s24  }
0xb3: {  	[dreg:$0x5] =	wrdreg s4  }
0xb4: {  	[dreg:$0x6] =	wrdreg $0x9  }
0xb5: {  	_ =	task.clear_ibuf [dreg:s9], $0x7FFFF;
	_ =	strace $0x90000046  }
0xb6: {  	s29 =	simm.s32 $0x9;
	_ =	strace $0x80000048  }
0xb7: {  	_ =	swait.ge [sflag:s29], $0x1  }
0xb8: {  	[sflag:s29] =	ssyncadd.s32 $0xFFFFFFFF  }
0xb9: {  	_ =	strace $0x90000048  }
0xba: {  	_ =	sfence  }
0xbb: {  	s30 =	sld [smem:$0x0];
	_ =	sdelay $0x2  }
0xbc: {  	s31 =	sshll.u32 s1, $0xD;
	s1 =	sshrl.u32 s1, $0x2  }
0xbd: {  	s3 =	sand.u32 $0x4000, s31;
	s1 =	sadd.s32 s1, s30  }
0xbe: {  	s0 =	sor.u32 s3, s0;
	s1 =	sshll.u32 s1, $0x11  }
0xbf: {  	s0 =	sor.u32 s1, s0  }
0xc0: {  	s0 =	sadd.s32 $0x8F2B, s0  }
0xc1: {  	[sflag:s0] =	ssyncadd.remote.s32 $0x1  }
0xc2: {  	_ =	sfence.sel $0xFFFF  }
0xc3: {  	[dreg:$0x0] =	wrdreg $0xFFFFFFFF;
	(pc) =	sbr.abs _section_cstart, $3  }
0xc4: {  	[dreg:$0x1] =	wrdreg $0xFFFFFFFF  }
0xc5: {  	_ =	task.clear_ibuf [dreg:s9], $0x2FFFF;
	_ =	strace $0x9FFFFFFF  }
0xc6: {  	(tm) =	ssettm $0x7FFFFFFF  }
0xc7: {  	_ =	shalt  }
tec
execute0_lowered:
.L_overlay_start_1:
0x0: {  	(tag) =	ssettag $0x1  }
0x1: {  	s4 =	rddreg [dreg:$0x0]  }
0x2: {  	s5 =	rddreg [dreg:$0x1]  }
0x3: {  	s3 =	rddreg [dreg:$0x2]  }
0x4: {  	s6 =	rddreg [dreg:$0x3]  }
0x5: {  	s0 =	rddreg [dreg:$0x4];
	s1 =	simm.s32 $0x0  }
0x6: {  	s2 =	srdreg.scid;
	s11 =	simm.s32 $0x8400;
	s12 =	simm.s32 $0x1  }
0x7: {  	s13 =	simm.s32 $0x2;
	s14 =	simm.s32 $0x10400;
	s15 =	simm.s32 $0x0  }
0x8: {  	[smem:$0x7FF] =	sst s1;
	s7 =	sand.u32 $0x1, s2;
	s2 =	stileid.u32  }
0x9: {  	vm0 =	vmmov $0x1;
	vm1 =	vmmov $0x3;
	vm2 =	vmmov $0x7;
	s3 =	sadd.s32 $0xF42800, s3;
	_ =	strace $0x80000047;
	s8 =	ssub.s32 $0x2, s7  }
0xa: {  	vm3 =	vmmov $0xf;
	vm4 =	vmmov $0x1f;
	vm5 =	vmmov $0x3f;
	s10 =	sshll.u32 s2, $0x7;
	s7 =	sshll.u32 s7, $0x6;
	s9 =	sshrl.u32 s8, $0x1  }
0xb: {  	vm6 =	vmmov $0x7f;
	vm7 =	vmmov $0xff;
	vm8 =	vmmov $0x1ff;
	s7 =	sor.u32 s7, s10;
	s10 =	simm.s32 $0x400;
	s8 =	ssub.s32 s8, s9  }
0xc: {  	vm9 =	vmmov $0x3ff;
	vm10 =	vmmov $0x7ff;
	vm11 =	vmmov $0xfff;
	s4 =	sadd.s32 s4, s7;
	s5 =	sadd.s32 s5, s7;
	s6 =	sadd.s32 s6, s7  }
0xd: {  	vm12 =	vmmov $0x1fff;
	vm13 =	vmmov $0x3fff;
	vm14 =	vmmov $0x7fff;
	s9 =	simm.s32 $0x200;
	s7 =	smax.u32 s8, $0x1;
	s8 =	simm.s32 $0x3  }
.LBB2_1:
0xe: {  	[tilespmem:s1], [sflag:$0x3] =	stream.linear.gather [hbm4b:s4+s1], $0x200, $0x38;
	[tilespmem:$0x10600] =	vst v63  }
0xf: {  	_ =	swait.ge [sflag:s8], $0x200  }
0x10: {  	[sflag:s8] =	ssyncset.done $0x0  }
0x11: {  	[sflag:s8] =	ssyncadd.s32 $0xFFFFFE00  }
0x12: {  	[tilespmem:s9], [sflag:$0x3] =	stream.linear.gather [hbm4b:s5+s1], $0x200, $0x38;
	[tilespmem:$0x10600] =	vst v63  }
0x13: {  	_ =	swait.ge [sflag:s8], $0x200  }
0x14: {  	[sflag:s8] =	ssyncset.done $0x0  }
0x15: {  	[sflag:s8] =	ssyncadd.s32 $0xFFFFFE00  }
0x16: {  	[tilespmem:s10], [sflag:$0x1] =	stream.indirect.gather [hbm4b:s3+s9], $0x40, s1, s9, $0xb8;
	[tilespmem:$0x10600] =	vst v63  }
0x17: {  	_ = 	snop  }
0x18: {  	[tilespmem:s11], [sflag:$0x2] =	stream.indirect.gather [hbm4b:s3+s9], $0x40, s9, s9, $0xb8;
	[tilespmem:$0x10600] =	vst v63  }
0x19: {  	_ =	swait.ge [sflag:s12], $0x8000  }
0x1a: {  	[sflag:s12] =	ssyncset.done $0x0  }
0x1b: {  	[sflag:s12] =	ssyncadd.s32 $0xFFFF8000  }
0x1c: {  	_ =	swait.ge [sflag:s13], $0x8000  }
0x1d: {  	[sflag:s13] =	ssyncset.done $0x0  }
0x1e: {  	s16 =	simm.s32 $0x0;
	[sflag:s13] =	ssyncadd.s32 $0xFFFF8000  }
0x1f: {  	v20 =	vld [tilespmem:s16+$0x7B0]  }
0x20: {  	v21 =	vld [tilespmem:s16+$0x87B0]  }
0x21: {  	v0 =	vld [tilespmem:s16+$0x7D0]  }
0x22: {  	v52 =	vld [tilespmem:s16+$0x87D0]  }
0x23: {  	v22 =	vld [tilespmem:s16+$0x7A0]  }
0x24: {  	v23 =	vld [tilespmem:s16+$0x87A0]  }
0x25: {  	v53 =	vld [tilespmem:s16+$0x7C0]  }
0x26: {  	v54 =	vld [tilespmem:s16+$0x87C0]  }
0x27: {  	v24 =	vld [tilespmem:s16+$0x730]  }
0x28: {  	v25 =	vld [tilespmem:s16+$0x8730]  }
0x29: {  	v55 =	vld [tilespmem:s16+$0x760]  }
0x2a: {  	v26 =	vld [tilespmem:s16+$0x790]  }
0x2b: {  	v27 =	vld [tilespmem:s16+$0x8790]  }
0x2c: {  	v28 =	vld [tilespmem:s16+$0x6F0]  }
0x2d: {  	v29 =	vld [tilespmem:s16+$0x86F0]  }
0x2e: {  	v30 =	vld [tilespmem:s16+$0x720]  }
0x2f: {  	v31 =	vld [tilespmem:s16+$0x8720]  }
0x30: {  	v56 =	vld [tilespmem:s16+$0x750]  }
0x31: {  	v57 =	vld [tilespmem:s16+$0x8750]  }
0x32: {  	v32 =	vld [tilespmem:s16+$0x780]  }
0x33: {  	v33 =	vld [tilespmem:s16+$0x8780]  }
0x34: {  	v34 =	vld [tilespmem:s16+$0x6E0]  }
0x35: {  	v35 =	vld [tilespmem:s16+$0x86E0]  }
0x36: {  	v36 =	vld [tilespmem:s16+$0x710]  }
0x37: {  	v37 =	vld [tilespmem:s16+$0x8710]  }
0x38: {  	v58 =	vld [tilespmem:s16+$0x740]  }
0x39: {  	v59 =	vld [tilespmem:s16+$0x8740]  }
0x3a: {  	v38 =	vld [tilespmem:s16+$0x670]  }
0x3b: {  	v39 =	vld [tilespmem:s16+$0x8670]  }
0x3c: {  	v60 =	vld [tilespmem:s16+$0x6A0]  }
0x3d: {  	v40 =	vld [tilespmem:s16+$0x6D0]  }
0x3e: {  	v41 =	vld [tilespmem:s16+$0x86D0]  }
0x3f: {  	v42 =	vld [tilespmem:s16+$0x700]  }
0x40: {  	v43 =	vld [tilespmem:s16+$0x8700]  }
0x41: {  	v44 =	vld [tilespmem:s16+$0x630]  }
0x42: {  	v45 =	vld [tilespmem:s16+$0x8630]  }
0x43: {  	v46 =	vld [tilespmem:s16+$0x660]  }
0x44: {  	v47 =	vld [tilespmem:s16+$0x8660]  }
0x45: {  	v61 =	vld [tilespmem:s16+$0x690]  }
0x46: {  	v62 =	vld [tilespmem:s16+$0x8690]  }
0x47: {  	v48 =	vld [tilespmem:s16+$0x6C0]  }
0x48: {  	v49 =	vld [tilespmem:s16+$0x86C0]  }
0x49: {  	v50 =	vld [tilespmem:s16+$0x620]  }
0x4a: {  	v51 =	vld [tilespmem:s16+$0x8620]  }
0x4b: {  	v63 =	vld [tilespmem:s16+$0x680]  }
0x4c: {  	v4 =	vld [tilespmem:s16+$0x8680]  }
0x4d: {  	v5 =	vld [tilespmem:s16+$0x5E0]  }
0x4e: {  	v6 =	vld [tilespmem:s16+$0x5D0]  }
0x4f: {  	v7 =	vld [tilespmem:s16+$0x85D0]  }
0x50: {  	v3 =	vld [tilespmem:s16+$0x600]  }
0x51: {  	v10 =	vld [tilespmem:s16+$0x560]  }
0x52: {  	v9 =	vld [tilespmem:s16+$0x8560]  }
0x53: {  	v1 =	vld [tilespmem:s16+$0x5C0]  }
0x54: {  	v8 =	vld [tilespmem:s16+$0x85C0]  }
0x55: {  	v16 =	vld [tilespmem:s16+$0x4F0]  }
0x56: {  	v15 =	vld [tilespmem:s16+$0x84F0]  }
0x57: {  	v11 =	vld [tilespmem:s16+$0x520]  }
0x58: {  	v2 =	vld [tilespmem:s16+$0x580]  }
0x59: {  	v14 =	vld [tilespmem:s16+$0x4B0]  }
0x5a: {  	v13 =	vld [tilespmem:s16+$0x84B0]  }
0x5b: {  	v12 =	vld [tilespmem:s16+$0x4E0]  }
0x5c: {  	v19 =	vld [tilespmem:s16+$0x510]  }
0x5d: {  	v18 =	vld [tilespmem:s16+$0x8510]  }
0x5e: {  	v17 =	vld [tilespmem:s16+$0x430]  }
0x5f: {  	[tilespmem:$0x1FEC0] =	vst v52;
	v52 =	vld [tilespmem:s16+$0x650]  }
0x60: {  	[tilespmem:$0x1FE90] =	vst v53;
	v53 =	vld [tilespmem:s16+$0x8650]  }
0x61: {  	[tilespmem:$0x1FEA0] =	vst v54;
	v54 =	vld [tilespmem:s16+$0x5B0]  }
0x62: {  	[tilespmem:$0x1FE80] =	vst v55;
	v55 =	vld [tilespmem:s16+$0x85B0]  }
0x63: {  	[tilespmem:$0x1FE60] =	vst v56;
	v56 =	vld [tilespmem:s16+$0x610]  }
0x64: {  	[tilespmem:$0x1FE70] =	vst v57;
	v57 =	vld [tilespmem:s16+$0x8610]  }
0x65: {  	[tilespmem:$0x1FE30] =	vst v58;
	v58 =	vld [tilespmem:s16+$0x640]  }
0x66: {  	[tilespmem:$0x1FE40] =	vst v59;
	v59 =	vld [tilespmem:s16+$0x8640]  }
0x67: {  	[tilespmem:$0x1FE50] =	vst v60;
	v60 =	vld [tilespmem:s16+$0x570]  }
0x68: {  	[tilespmem:$0x1FE10] =	vst v61;
	v61 =	vld [tilespmem:s16+$0x8570]  }
0x69: {  	[tilespmem:$0x1FE20] =	vst v62;
	v62 =	vld [tilespmem:s16+$0x5A0]  }
0x6a: {  	[tilespmem:$0x1FDE0] =	vst v63;
	v63 =	vld [tilespmem:s16+$0x85A0]  }
0x6b: {  	[tilespmem:$0x1FEB0] =	vst v0;
	v0 =	vld [tilespmem:s16+$0x8600]  }
0x6c: {  	[tilespmem:$0x1FDC0] =	vst v6;
	v6 =	vld [tilespmem:s16+$0x590]  }
0x6d: {  	[tilespmem:$0x1FE00] =	vst v5;
	v5 =	vld [tilespmem:s16+$0x8590]  }
0x6e: {  	[tilespmem:$0x1FDA0] =	vst v8;
	v8 =	vld [tilespmem:s16+$0x550]  }
0x6f: {  	[tilespmem:$0x1FDD0] =	vst v7;
	v7 =	vld [tilespmem:s16+$0x8550]  }
0x70: {  	[tilespmem:$0x1FD90] =	vst v1;
	v1 =	vld [tilespmem:s16+$0x8580]  }
0x71: {  	[tilespmem:$0x1FDB0] =	vst v11;
	v11 =	vld [tilespmem:s16+$0x84E0]  }
0x72: {  	[tilespmem:$0x1FDF0] =	vst v4;
	v4 =	vld [tilespmem:s16+$0x540]  }
0x73: {  	v32 =	vmul.f32 v33, v32;
	v33 =	vld [tilespmem:s16+$0x8540]  }
0x74: {  	v42 =	vmul.f32 v43, v42;
	v43 =	vld [tilespmem:s16+$0x4A0]  }
0x75: {  	v22 =	vmul.f32 v23, v22;
	v23 =	vld [tilespmem:s16+$0x84A0]  }
0x76: {  	v48 =	vmul.f32 v49, v48;
	v46 =	vmul.f32 v47, v46;
	v47 =	vld [tilespmem:s16+$0x8490]  }
0x77: {  	v26 =	vmul.f32 v27, v26;
	v27 =	vadd.f32 $0.0e+00, v32;
	v32 =	vld [tilespmem:s16+$0x8430]  }
0x78: {  	v49 =	vadd.f32 $0.0e+00, v48;
	v48 =	vld [tilespmem:s16+$0x480]  }
0x79: {  	v26 =	vadd.f32 v26, v27;
	v27 =	vmul.f32 v37, v36;
	v37 =	vld [tilespmem:s16+$0x4D0]  }
0x7a: {  	v36 =	vadd.f32 $0.0e+00, v42;
	v11 =	vmul.f32 v11, v12;
	v12 =	vld [tilespmem:s16+$0x460]  }
0x7b: {  	v22 =	vadd.f32 v22, v26;
	v26 =	vld [tilespmem:s16+$0x84D0]  }
0x7c: {  	v20 =	vmul.f32 v21, v20;
	v21 =	vadd.f32 v27, v36;
	v27 =	vmul.f32 v31, v30;
	v30 =	vld [tilespmem:s16+$0x500]  }
0x7d: {  	v31 =	vmul.f32 v41, v40;
	v40 =	vld [tilespmem:s16+$0x8500]  }
0x7e: {  	v41 =	vmul.f32 v53, v52;
	v52 =	vmul.f32 v63, v62;
	v63 =	vld [tilespmem:s16+$0x470]  }
0x7f: {  	v62 =	vmul.f32 v15, v16;
	v15 =	vld [tilespmem:s16+$0x8520]  }
0x80: {  	v21 =	vadd.f32 v27, v21;
	v27 =	vld [tilespmem:s16+$0x420]  }
0x81: {  	v24 =	vmul.f32 v25, v24;
	v25 =	vadd.f32 v31, v49;
	v31 =	vmul.f32 v35, v34;
	v34 =	vld [tilespmem:s16+$0x8420]  }
0x82: {  	v49 =	vld [tilespmem:s16+$0x8480]  }
0x83: {  	v20 =	vadd.f32 v20, v22;
	v22 =	vmul.f32 v59, v58;
	v58 =	vld [tilespmem:s16+$0x440]  }
0x84: {  	v59 =	vld [tilespmem:s16+$0x8440]  }
0x85: {  	v35 =	vld [tilespmem:s16+$0x8470]  }
0x86: {  	v4 =	vmul.f32 v33, v4;
	v42 =	vadd.f32 $0.0e+00, v22;
	v22 =	vld [tilespmem:s16+$0x490]  }
0x87: {  	v21 =	vadd.f32 v24, v21;
	v24 =	vadd.f32 v31, v25;
	v25 =	vmul.f32 v29, v28;
	v28 =	vld [tilespmem:s16+$0x4C0]  }
0x88: {  	v7 =	vmul.f32 v7, v8;
	v4 =	vadd.f32 $0.0e+00, v4;
	v31 =	vld [tilespmem:s16+$0x84C0]  }
0x89: {  	v0 =	vmul.f32 v0, v3;
	v29 =	vmul.f32 v57, v56;
	v56 =	vld [tilespmem:s16+$0x8410]  }
0x8a: {  	v53 =	vmul.f32 v9, v10;
	v4 =	vadd.f32 v7, v4;
	v57 =	vmul.f32 v55, v54;
	v54 =	vld [tilespmem:$0x1FDD0]  }
0x8b: {  	v0 =	vadd.f32 $0.0e+00, v0;
	v55 =	vld [tilespmem:s16+$0x86A0]  }
0x8c: {  	v4 =	vadd.f32 v53, v4;
	v53 =	vld [tilespmem:$0x1FDC0]  }
0x8d: {  	v0 =	vadd.f32 v29, v0;
	v29 =	vmul.f32 v51, v50;
	v50 =	vld [tilespmem:s16+$0x410]  }
0x8e: {  	v51 =	vld [tilespmem:s16+$0x8400]  }
0x8f: {  	v24 =	vadd.f32 v25, v24;
	v25 =	vmul.f32 v39, v38;
	v38 =	vld [tilespmem:s16+$0x530]  }
0x90: {  	v3 =	vadd.f32 v41, v42;
	v41 =	vld [tilespmem:s16+$0x8530]  }
0x91: {  	v42 =	vmul.f32 v32, v17;
	v32 =	vld [tilespmem:$0x1FE10]  }
0x92: {  	v17 =	vld [tilespmem:$0x1FEA0]  }
0x93: {  	v5 =	vmul.f32 v5, v6;
	v6 =	vmul.f32 v49, v48;
	v49 =	vld [tilespmem:$0x1FDB0]  }
0x94: {  	v1 =	vmul.f32 v1, v2;
	v7 =	vmul.f32 v59, v58;
	v58 =	vld [tilespmem:$0x1FDE0];
	v3 =	vadd.f32 v46, v3  }
0x95: {  	v59 =	vld [tilespmem:$0x1FDF0]  }
0x96: {  	v33 =	vmul.f32 v13, v14;
	v1 =	vadd.f32 $0.0e+00, v1;
	v3 =	vadd.f32 v25, v3;
	v25 =	vld [tilespmem:s16+$0x400]  }
0x97: {  	v13 =	vmul.f32 v34, v27;
	v34 =	vld [tilespmem:$0x1FE40];
	v0 =	vadd.f32 v29, v0;
	v29 =	vmul.f32 v45, v44  }
0x98: {  	v1 =	vadd.f32 v5, v1;
	v26 =	vmul.f32 v26, v37;
	v28 =	vmul.f32 v31, v28;
	v31 =	vld [tilespmem:s16+$0x450]  }
0x99: {  	v6 =	vadd.f32 $0.0e+00, v6;
	v2 =	vmul.f32 v47, v22;
	v22 =	vld [tilespmem:s16+$0x8450];
	v0 =	vadd.f32 v29, v0  }
0x9a: {  	v29 =	vmul.f32 v61, v60;
	v61 =	vmul.f32 v23, v43;
	v23 =	vld [tilespmem:s16+$0x8460];
	v28 =	vadd.f32 $0.0e+00, v28  }
0x9b: {  	(xrf2) =	vadd.scan.msk.f32 $0xffff, v20;
	v1 =	vadd.f32 v52, v1;
	v45 =	vld [tilespmem:$0x1FD90];
	v8 =	vmul.f32 v51, v25  }
0x9c: {  	v37 =	vmul.f32 v40, v30;
	(xrf2) =	vadd.scan.msk.f32 $0xffff, v21;
	v46 =	vld [tilespmem:$0x1FDA0];
	v2 =	vadd.f32 v2, v6;
	v60 =	vadd.f32 v26, v28  }
0x9d: {  	(xrf2) =	vadd.scan.msk.f32 $0xffff, v24;
	v7 =	vadd.f32 $0.0e+00, v7;
	v47 =	vld [tilespmem:s16+$0x5F0];
	v9 =	vmul.f32 v56, v50;
	v8 =	vadd.f32 $0.0e+00, v8  }
0x9e: {  	v50 =	vld [tilespmem:s16+$0x85F0];
	(xrf2) =	vadd.scan.msk.f32 $0xffff, v3;
	v3 =	vmul.f32 v15, v49;
	v2 =	vadd.f32 v61, v2;
	v5 =	vadd.f32 v11, v60  }
0x9f: {  	v15 =	vld [tilespmem:$0x1FE70];
	v14 =	vmul.f32 v22, v31;
	v40 =	vmul.f32 v23, v12;
	v8 =	vadd.f32 v9, v8  }
0xa0: {  	v61 =	vld [tilespmem:$0x1FE00];
	v12 =	vmul.f32 v18, v19;
	v36 =	vadd.f32 v62, v5;
	v5 =	vadd.f32 $0.0e+00, v37  }
0xa1: {  	v1 =	vadd.f32 v57, v1;
	v39 =	vadd.f32 v13, v8;
	v13 =	vld [tilespmem:s16+$0x85E0]  }
0xa2: {  	v7 =	vadd.f32 v14, v7;
	v48 =	vadd.f32 v12, v5;
	v12 =	vld [tilespmem:$0x1FE20];
	v8 =	vmul.f32 v46, v45  }
0xa3: {  	v44 =	vmul.f32 v35, v63;
	v4 =	vadd.f32 v29, v4;
	v2 =	vadd.f32 v33, v2;
	v33 =	vld [tilespmem:$0x1FE30]  }
0xa4: {  	(xrf2) =	vadd.scan.msk.f32 $0xffff, v0;
	v60 =	vld [tilespmem:s16+$0x6B0];
	v43 =	vadd.f32 v40, v7;
	v7 =	vmul.f32 v54, v53;
	v52 =	vadd.f32 $0.0e+00, v8  }
0xa5: {  	(xrf2) =	vadd.scan.msk.f32 $0xffff, v1;
	v40 =	vld [tilespmem:$0x1FE60];
	v56 =	vadd.f32 v3, v48;
	v3 =	vmul.f32 v59, v58  }
0xa6: {  	(xrf2) =	vadd.scan.msk.f32 $0xffff, v4;
	v51 =	vadd.f32 v44, v43;
	v44 =	vld [tilespmem:$0x1FE80];
	v4 =	vadd.f32 v7, v52;
	v7 =	vmul.f32 v13, v61  }
0xa7: {  	v63 =	vadd.f32 $0.0e+00, v3;
	v3 =	vmul.f32 v12, v32;
	v12 =	vld [tilespmem:s16+$0x8760]  }
0xa8: {  	v18 =	vld [tilespmem:$0x1FEC0];
	(xrf2) =	vadd.scan.msk.f32 $0xffff, v36;
	v0 =	vadd.f32 v42, v39;
	v4 =	vadd.f32 v7, v4;
	v7 =	vmul.f32 v34, v33  }
0xa9: {  	v57 =	vmul.f32 v41, v38;
	v36 =	vld [tilespmem:$0x1FE50];
	(xrf2) =	vadd.scan.msk.f32 $0xffff, v2  }
0xaa: {  	v62 =	vld [tilespmem:s16+$0x86B0];
	v5 =	vmul.f32 v50, v47;
	(xrf2) =	vadd.scan.msk.f32 $0xffff, v0;
	v39 =	vadd.f32 $0.0e+00, v7;
	v7 =	vmul.f32 v15, v40  }
0xab: {  	v10, _, _ =	vpop (xrf2);
	v46 =	vld [tilespmem:$0x1FEB0];
	v0 =	vadd.f32 v57, v56;
	(xrf2) =	vadd.scan.msk.f32 $0xffff, v51  }
0xac: {  	v2, _, _ =	vpop (xrf2);
	v4 =	vadd.f32 v5, v4;
	v5 =	vadd.f32 v7, v39;
	v7 =	vmul.f32 v12, v44;
	v12 =	vld [tilespmem:$0x1FE90]  }
0xad: {  	v35 =	vld [tilespmem:s16+$0x770];
	v13, _, _ =	vpop (xrf2)  }
0xae: {  	v37 =	vld [tilespmem:s16+$0x8770];
	v1 =	vadd.f32 v3, v63;
	v3 =	vmul.f32 v55, v36;
	v14, _, _ =	vpop (xrf2);
	(xrf2) =	vadd.scan.msk.f32 $0xffff, v0  }
0xaf: {  	v42 =	vld [tilespmem:s16+$0x87E0];
	v38, _, _ =	vpop (xrf2)  }
0xb0: {  	v41 =	vmul.f32 v62, v60;
	v1 =	vadd.f32 v3, v1;
	v16, _, _ =	vpop (xrf2);
	v15 =	vld [tilespmem:s16+$0x7E0]  }
0xb1: {  	v3 =	vmul.f32 v18, v46;
	v18 =	vld [tilespmem:s16+$0x87F0];
	v43, _, _ =	vpop (xrf2);
	(xrf2) =	vadd.scan.msk.f32 $0xffff, v4;
	v12 =	vmul.f32 v17, v12  }
0xb2: {  	v1 =	vadd.f32 v41, v1;
	v45, _, _ =	vpop (xrf2);
	v17 =	vld [tilespmem:s16+$0x7F0]  }
0xb3: {  	v47 =	vmul.f32 v37, v35;
	v19, _, _ =	vpop (xrf2);
	v5 =	vadd.f32 v7, v5;
	v48 =	vadd.f32 $0.0e+00, v12  }
0xb4: {  	(xrf2) =	vadd.scan.msk.f32 $0xffff, v1;
	v49, _, _ =	vpop (xrf2)  }
0xb5: {  	v51 =	vmul.f32 v42, v15;
	v50 =	vadd.f32 v47, v5;
	v52, _, _ =	vpop (xrf2);
	v3 =	vadd.f32 v3, v48  }
0xb6: {  	v53 =	vbroadcast v49, $0xF;
	v6 =	vbroadcast v52, $0xF  }
0xb7: {  	v54 =	vbroadcast v19, $0xF;
	(xrf2) =	vadd.scan.msk.f32 $0xffff, v50;
	v55 =	vmul.f32 v18, v17;
	v3 =	vadd.f32 v51, v3  }
0xb8: {  	v4 =	vbroadcast v45, $0xF;
	v57, _, _ =	vpop (xrf2);
	v56 =	vsel vm0, v53, v6  }
0xb9: {  	v6 =	vbroadcast v57, $0xF;
	v1 =	vsel vm1, v56, v54;
	v3 =	vadd.f32 v55, v3  }
0xba: {  	v58 =	vbroadcast v43, $0xF;
	v1 =	vsel vm2, v1, v4  }
0xbb: {  	v59 =	vbroadcast v16, $0xF;
	v1 =	vsel vm3, v1, v6;
	v60, _, _ =	vpop (xrf2);
	(xrf2) =	vadd.scan.msk.f32 $0xffff, v3  }
0xbc: {  	v1 =	vsel vm4, v1, v58;
	v61 =	vbroadcast v60, $0xF  }
0xbd: {  	v0 =	vbroadcast v38, $0xF;
	v1 =	vsel vm5, v1, v59  }
0xbe: {  	v62 =	vbroadcast v14, $0xF;
	v63, _, _ =	vpop (xrf2);
	v1 =	vsel vm6, v1, v61  }
0xbf: {  	v6 =	vbroadcast v63, $0xF;
	v0 =	vsel vm7, v1, v0  }
0xc0: {  	v7 =	vbroadcast v13, $0xF;
	v0 =	vsel vm8, v0, v62  }
0xc1: {  	v8 =	vbroadcast v2, $0xF;
	v0 =	vsel vm9, v0, v6;
	v9, _, _ =	vpop (xrf2)  }
0xc2: {  	v0 =	vsel vm10, v0, v7;
	v2 =	vbroadcast v9, $0xF  }
0xc3: {  	v11 =	vbroadcast v10, $0xF;
	v0 =	vsel vm11, v0, v8  }
0xc4: {  	v0 =	vsel vm12, v0, v2  }
0xc5: {  	v0 =	vsel vm13, v0, v11;
	v32, _, _ =	vpop (xrf2)  }
0xc6: {  	v0 =	vsel vm14, v0, v32  }
0xc7: {  	s16 =	simm.s32 $0x400;
	[tilespmem:s14+$0x0] =	vst v0  }
0xc8: {  	v22 =	vld [tilespmem:s16+$0x7B0]  }
0xc9: {  	v53 =	vld [tilespmem:s16+$0x87B0]  }
0xca: {  	v17 =	vld [tilespmem:s16+$0x7D0]  }
0xcb: {  	v0 =	vld [tilespmem:s16+$0x87D0]  }
0xcc: {  	v3 =	vld [tilespmem:s16+$0x7A0]  }
0xcd: {  	v29 =	vld [tilespmem:s16+$0x87A0]  }
0xce: {  	v33 =	vld [tilespmem:s16+$0x7C0]  }
0xcf: {  	v34 =	vld [tilespmem:s16+$0x87C0]  }
0xd0: {  	v21 =	vld [tilespmem:s16+$0x730]  }
0xd1: {  	v24 =	vld [tilespmem:s16+$0x8730]  }
0xd2: {  	v35 =	vld [tilespmem:s16+$0x760]  }
0xd3: {  	v27 =	vld [tilespmem:s16+$0x790]  }
0xd4: {  	v8 =	vld [tilespmem:s16+$0x6F0]  }
0xd5: {  	v10 =	vld [tilespmem:s16+$0x86F0]  }
0xd6: {  	v52 =	vld [tilespmem:s16+$0x720]  }
0xd7: {  	v37 =	vld [tilespmem:s16+$0x8720]  }
0xd8: {  	v36 =	vld [tilespmem:s16+$0x750]  }
0xd9: {  	v38 =	vld [tilespmem:s16+$0x8750]  }
0xda: {  	v23 =	vld [tilespmem:s16+$0x780]  }
0xdb: {  	v39 =	vld [tilespmem:s16+$0x6E0]  }
0xdc: {  	v61 =	vld [tilespmem:s16+$0x86E0]  }
0xdd: {  	v43 =	vld [tilespmem:s16+$0x710]  }
0xde: {  	v44 =	vld [tilespmem:s16+$0x8710]  }
0xdf: {  	v40 =	vld [tilespmem:s16+$0x740]  }
0xe0: {  	v41 =	vld [tilespmem:s16+$0x8740]  }
0xe1: {  	v6 =	vld [tilespmem:s16+$0x670]  }
0xe2: {  	v7 =	vld [tilespmem:s16+$0x8670]  }
0xe3: {  	v42 =	vld [tilespmem:s16+$0x6A0]  }
0xe4: {  	v32 =	vld [tilespmem:s16+$0x6D0]  }
0xe5: {  	v48 =	vld [tilespmem:s16+$0x86D0]  }
0xe6: {  	v49 =	vld [tilespmem:s16+$0x700]  }
0xe7: {  	v50 =	vld [tilespmem:s16+$0x8700]  }
0xe8: {  	v9 =	vld [tilespmem:s16+$0x630]  }
0xe9: {  	v11 =	vld [tilespmem:s16+$0x8630]  }
0xea: {  	v45 =	vld [tilespmem:s16+$0x660]  }
0xeb: {  	v62 =	vld [tilespmem:s16+$0x8660]  }
0xec: {  	v46 =	vld [tilespmem:s16+$0x690]  }
0xed: {  	v47 =	vld [tilespmem:s16+$0x8690]  }
0xee: {  	v55 =	vld [tilespmem:s16+$0x6C0]  }
0xef: {  	v56 =	vld [tilespmem:s16+$0x86C0]  }
0xf0: {  	v51 =	vld [tilespmem:s16+$0x620]  }
0xf1: {  	v58 =	vld [tilespmem:s16+$0x8620]  }
0xf2: {  	v59 =	vld [tilespmem:s16+$0x650]  }
0xf3: {  	v60 =	vld [tilespmem:s16+$0x8650]  }
0xf4: {  	v54 =	vld [tilespmem:s16+$0x680]  }
0xf5: {  	v57 =	vld [tilespmem:s16+$0x8680]  }
0xf6: {  	v12 =	vld [tilespmem:s16+$0x5B0]  }
0xf7: {  	v13 =	vld [tilespmem:s16+$0x85B0]  }
0xf8: {  	v63 =	vld [tilespmem:s16+$0x5E0]  }
0xf9: {  	v4 =	vld [tilespmem:s16+$0x570]  }
0xfa: {  	v5 =	vld [tilespmem:s16+$0x8570]  }
0xfb: {  	v2 =	vld [tilespmem:s16+$0x85A0]  }
0xfc: {  	v15 =	vld [tilespmem:s16+$0x5D0]  }
0xfd: {  	v16 =	vld [tilespmem:s16+$0x85D0]  }
0xfe: {  	v1 =	vld [tilespmem:s16+$0x600]  }
0xff: {  	v14 =	vld [tilespmem:s16+$0x560]  }
0x100: {  	v18 =	vld [tilespmem:s16+$0x5C0]  }
0x101: {  	v19 =	vld [tilespmem:s16+$0x85C0]  }
0x102: {  	v26 =	vld [tilespmem:s16+$0x84F0]  }
0x103: {  	v20 =	vld [tilespmem:s16+$0x520]  }
0x104: {  	v25 =	vld [tilespmem:s16+$0x4B0]  }
0x105: {  	v28 =	vld [tilespmem:s16+$0x84B0]  }
0x106: {  	v30 =	vld [tilespmem:s16+$0x4E0]  }
0x107: {  	v31 =	vld [tilespmem:s16+$0x84E0]  }
0x108: {  	[tilespmem:$0x1FEF0] =	vst v34;
	v34 =	vld [tilespmem:s16+$0x8790]  }
0x109: {  	[tilespmem:$0x1FF00] =	vst v35;
	v35 =	vld [tilespmem:s16+$0x8780]  }
0x10a: {  	[tilespmem:$0x1FFA0] =	vst v63;
	v63 =	vld [tilespmem:s16+$0x610]  }
0x10b: {  	[tilespmem:$0x1FF60] =	vst v46;
	v46 =	vld [tilespmem:s16+$0x8610]  }
0x10c: {  	[tilespmem:$0x1FF10] =	vst v36;
	v36 =	vld [tilespmem:s16+$0x640]  }
0x10d: {  	[tilespmem:$0x1FEE0] =	vst v33;
	v33 =	vld [tilespmem:s16+$0x8640]  }
0x10e: {  	[tilespmem:$0x1FF90] =	vst v57;
	v57 =	vld [tilespmem:s16+$0x5A0]  }
0x10f: {  	[tilespmem:$0x1FED0] =	vst v0;
	v0 =	vld [tilespmem:s16+$0x8600]  }
0x110: {  	[tilespmem:$0x1FFE0] =	vst v14;
	v14 =	vld [tilespmem:s16+$0x8560]  }
0x111: {  	[tilespmem:$0x1FFC0] =	vst v45;
	v45 =	vld [tilespmem:s16+$0x590]  }
0x112: {  	[tilespmem:$0x1FF50] =	vst v42;
	v42 =	vld [tilespmem:s16+$0x8590]  }
0x113: {  	[tilespmem:$0x1FF80] =	vst v54;
	v54 =	vld [tilespmem:s16+$0x4F0]  }
0x114: {  	[tilespmem:$0x1FFD0] =	vst v51;
	v51 =	vld [tilespmem:s16+$0x550]  }
0x115: {  	[tilespmem:$0x1FF70] =	vst v47;
	v47 =	vld [tilespmem:s16+$0x8550]  }
0x116: {  	[tilespmem:$0x1FF30] =	vst v40;
	v40 =	vld [tilespmem:s16+$0x580]  }
0x117: {  	[tilespmem:$0x1FF20] =	vst v38;
	v38 =	vld [tilespmem:s16+$0x8580]  }
0x118: {  	[tilespmem:$0x1FF40] =	vst v41;
	v41 =	vld [tilespmem:s16+$0x540]  }
0x119: {  	[tilespmem:$0x1FFB0] =	vst v39;
	v39 =	vld [tilespmem:s16+$0x8540];
	v49 =	vmul.f32 v50, v49  }
0x11a: {  	v3 =	vmul.f32 v29, v3;
	v29 =	vld [tilespmem:s16+$0x8430];
	v43 =	vmul.f32 v44, v43  }
0x11b: {  	v55 =	vmul.f32 v56, v55;
	v37 =	vmul.f32 v37, v52;
	v52 =	vld [tilespmem:s16+$0x84D0]  }
0x11c: {  	v56 =	vmul.f32 v53, v22;
	v48 =	vmul.f32 v48, v32;
	v32 =	vld [tilespmem:s16+$0x500];
	v44 =	vadd.f32 $0.0e+00, v49  }
0x11d: {  	v53 =	vmul.f32 v24, v21;
	v21 =	vld [tilespmem:$0x1FFB0];
	v49 =	vadd.f32 $0.0e+00, v55;
	v35 =	vmul.f32 v35, v23  }
0x11e: {  	v43 =	vadd.f32 v43, v44;
	v44 =	vld [tilespmem:s16+$0x4D0]  }
0x11f: {  	v48 =	vadd.f32 v48, v49;
	v49 =	vld [tilespmem:$0x1FFC0];
	v34 =	vmul.f32 v34, v27;
	v35 =	vadd.f32 $0.0e+00, v35  }
0x120: {  	[tilespmem:$0x1FFF0] =	vst v14;
	v14 =	vld [tilespmem:s16+$0x510]  }
0x121: {  	v23 =	vld [tilespmem:s16+$0x8510];
	v35 =	vadd.f32 v34, v35  }
0x122: {  	v27 =	vld [tilespmem:s16+$0x430]  }
0x123: {  	v60 =	vmul.f32 v60, v59;
	v55 =	vmul.f32 v33, v36;
	v33 =	vld [tilespmem:s16+$0x8500];
	v50 =	vadd.f32 v3, v35  }
0x124: {  	v8 =	vmul.f32 v10, v8;
	v36 =	vld [tilespmem:s16+$0x420];
	v10 =	vmul.f32 v46, v63  }
0x125: {  	v46 =	vld [tilespmem:s16+$0x490];
	v50 =	vadd.f32 v56, v50;
	v56 =	vmul.f32 v61, v21;
	v61 =	vadd.f32 $0.0e+00, v55  }
0x126: {  	v63 =	vld [tilespmem:s16+$0x84C0]  }
0x127: {  	v0 =	vmul.f32 v0, v1;
	v37 =	vadd.f32 v37, v43;
	v1 =	vadd.f32 v60, v61;
	v61 =	vld [tilespmem:$0x1FFD0]  }
0x128: {  	v55 =	vld [tilespmem:s16+$0x4C0]  }
0x129: {  	v42 =	vmul.f32 v42, v45;
	v45 =	vld [tilespmem:s16+$0x480];
	v41 =	vmul.f32 v39, v41;
	v43 =	vadd.f32 v53, v37  }
0x12a: {  	v39 =	vld [tilespmem:s16+$0x8490];
	v0 =	vadd.f32 $0.0e+00, v0;
	(xrf2) =	vadd.scan.msk.f32 $0xffff, v50  }
0x12b: {  	v38 =	vmul.f32 v38, v40;
	v2 =	vmul.f32 v2, v57;
	v57 =	vadd.f32 $0.0e+00, v41;
	v41 =	vld [tilespmem:s16+$0x8400];
	(xrf2) =	vadd.scan.msk.f32 $0xffff, v43  }
0x12c: {  	v37 =	vld [tilespmem:s16+$0x8420];
	v53 =	vmul.f32 v62, v49;
	v0 =	vadd.f32 v10, v0;
	v62 =	vmul.f32 v58, v61  }
0x12d: {  	v38 =	vadd.f32 $0.0e+00, v38;
	v61 =	vmul.f32 v63, v55;
	v63 =	vld [tilespmem:$0x1FFF0]  }
0x12e: {  	v48 =	vadd.f32 v56, v48;
	v0 =	vadd.f32 v62, v0;
	v62 =	vld [tilespmem:$0x1FFE0]  }
0x12f: {  	v47 =	vmul.f32 v47, v51;
	v10 =	vld [tilespmem:s16+$0x8480];
	v42 =	vadd.f32 v42, v38  }
0x130: {  	v34 =	vld [tilespmem:s16+$0x4A0];
	v48 =	vadd.f32 v8, v48;
	v1 =	vadd.f32 v53, v1;
	v8 =	vmul.f32 v7, v6  }
0x131: {  	v38 =	vld [tilespmem:s16+$0x410];
	v49 =	vadd.f32 v47, v57;
	v56 =	vmul.f32 v11, v9  }
0x132: {  	v47 =	vld [tilespmem:s16+$0x400];
	v59 =	vadd.f32 v2, v42;
	v60 =	vmul.f32 v13, v12;
	v1 =	vadd.f32 v8, v1  }
0x133: {  	v35 =	vld [tilespmem:s16+$0x84A0];
	(xrf2) =	vadd.scan.msk.f32 $0xffff, v48;
	v58 =	vadd.f32 v56, v0;
	v3 =	vmul.f32 v63, v62  }
0x134: {  	v50 =	vmul.f32 v10, v45;
	v45 =	vld [tilespmem:s16+$0x440];
	v40 =	vadd.f32 v60, v59;
	v48 =	vmul.f32 v52, v44;
	(xrf2) =	vadd.scan.msk.f32 $0xffff, v1;
	v52, _, _ =	vpop (xrf2)  }
0x135: {  	s18 =	simm.s32 $0x2000;
	s17 =	simm.s32 $0x10400;
	v42 =	vmul.f32 v5, v4;
	v44 =	vld [tilespmem:s16+$0x8410];
	v51 =	vadd.f32 $0.0e+00, v61;
	(xrf2) =	vadd.scan.msk.f32 $0xffff, v58;
	v21, _, _ =	vpop (xrf2);
	v49 =	vadd.f32 v3, v49  }
.LBB2_2:
0x136: {  	v43 =	vld [tilespmem:s16+$0x8440]  }
0x137: {  	v55 =	vld [tilespmem:s16+$0x450]  }
0x138: {  	v56 =	vld [tilespmem:s16+$0x8450]  }
0x139: {  	v58 =	vld [tilespmem:s16+$0x8460]  }
0x13a: {  	v60 =	vld [tilespmem:s16+$0x470]  }
0x13b: {  	v62 =	vld [tilespmem:s16+$0x8470]  }
0x13c: {  	v4 =	vld [tilespmem:s16+$0x8520]  }
0x13d: {  	v6 =	vld [tilespmem:s16+$0x530]  }
0x13e: {  	v7 =	vld [tilespmem:s16+$0x8530]  }
0x13f: {  	v15 =	vmul.f32 v16, v15;
	v16 =	vld [tilespmem:s16+$0x86A0]  }
0x140: {  	v9 =	vld [tilespmem:$0x1FF80]  }
0x141: {  	v10 =	vld [tilespmem:$0x1FF90]  }
0x142: {  	v13 =	vld [tilespmem:s16+$0x6B0]  }
0x143: {  	v11 =	vld [tilespmem:$0x1FFA0];
	v31 =	vmul.f32 v31, v30  }
0x144: {  	v48 =	vadd.f32 v48, v51;
	(xrf2) =	vadd.scan.msk.f32 $0xffff, v40;
	v40 =	vld [tilespmem:$0x1FF20];
	v39 =	vmul.f32 v39, v46;
	v41 =	vmul.f32 v41, v47  }
0x145: {  	v50 =	vadd.f32 $0.0e+00, v50;
	v0 =	vmul.f32 v26, v54;
	v26 =	vld [tilespmem:s16+$0x460];
	v34 =	vmul.f32 v35, v34  }
0x146: {  	v42 =	vadd.f32 v42, v49;
	v1 =	vmul.f32 v44, v38;
	v22 =	vmul.f32 v23, v14;
	v23 =	vld [tilespmem:s16+$0x85E0]  }
0x147: {  	v27 =	vmul.f32 v29, v27;
	v18 =	vmul.f32 v19, v18;
	v19 =	vld [tilespmem:s16+$0x5F0];
	v31 =	vadd.f32 v31, v48  }
0x148: {  	v29 =	vmul.f32 v33, v32;
	v32 =	vld [tilespmem:$0x1FF60];
	v39 =	vadd.f32 v39, v50;
	v57 =	vadd.f32 $0.0e+00, v41  }
0x149: {  	v25 =	vmul.f32 v28, v25;
	v33 =	vld [tilespmem:$0x1FF70];
	v30, _, _ =	vpop (xrf2);
	(xrf2) =	vadd.scan.msk.f32 $0xffff, v42;
	v59 =	vmul.f32 v43, v45;
	v31 =	vadd.f32 v0, v31  }
0x14a: {  	v61 =	vmul.f32 v37, v36;
	v35 =	vld [tilespmem:$0x1FF30];
	v34 =	vadd.f32 v34, v39;
	v28 =	vadd.f32 v1, v57  }
0x14b: {  	v36 =	vld [tilespmem:$0x1FF40];
	v63 =	vmul.f32 v56, v55;
	v24, _, _ =	vpop (xrf2);
	(xrf2) =	vadd.scan.msk.f32 $0xffff, v31;
	v31 =	vadd.f32 $0.0e+00, v59  }
0x14c: {  	v37 =	vld [tilespmem:$0x1FF50];
	v25 =	vadd.f32 v25, v34;
	v5 =	vadd.f32 v61, v28  }
0x14d: {  	v44 =	vld [tilespmem:$0x1FEF0];
	v26 =	vmul.f32 v58, v26;
	v31 =	vadd.f32 v63, v31  }
0x14e: {  	v47 =	vld [tilespmem:$0x1FED0];
	v38, _, _ =	vpop (xrf2);
	(xrf2) =	vadd.scan.msk.f32 $0xffff, v25;
	v25 =	vadd.f32 v27, v5;
	v27 =	vadd.f32 $0.0e+00, v29  }
0x14f: {  	v42 =	vld [tilespmem:$0x1FF00];
	v29 =	vmul.f32 v62, v60;
	v8 =	vadd.f32 v26, v31  }
0x150: {  	v20 =	vmul.f32 v4, v20;
	v12 =	vmul.f32 v10, v9;
	v22 =	vadd.f32 v22, v27;
	v27 =	vld [tilespmem:s16+$0x85F0]  }
0x151: {  	v43 =	vld [tilespmem:$0x1FEE0];
	v18 =	vadd.f32 $0.0e+00, v18;
	v28, _, _ =	vpop (xrf2);
	(xrf2) =	vadd.scan.msk.f32 $0xffff, v25;
	v25 =	vadd.f32 v29, v8  }
0x152: {  	v2 =	vmul.f32 v7, v6;
	v12 =	vadd.f32 $0.0e+00, v12;
	v39 =	vld [tilespmem:$0x1FF10];
	v20 =	vadd.f32 v20, v22  }
0x153: {  	v15 =	vadd.f32 v15, v18;
	v18 =	vld [tilespmem:s16+$0x86B0];
	v14 =	vmul.f32 v23, v11;
	v10 =	vmul.f32 v33, v32;
	v26, _, _ =	vpop (xrf2);
	(xrf2) =	vadd.scan.msk.f32 $0xffff, v25  }
0x154: {  	v11 =	vld [tilespmem:s16+$0x8760];
	v7 =	vmul.f32 v36, v35;
	v20 =	vadd.f32 v2, v20  }
0x155: {  	v14 =	vadd.f32 v14, v15;
	v10 =	vadd.f32 v10, v12;
	v12 =	vld [tilespmem:s16+$0x8770];
	v34 =	vmul.f32 v27, v19  }
0x156: {  	v9 =	vmul.f32 v16, v37;
	v8 =	vld [tilespmem:s16+$0x770];
	v22, _, _ =	vpop (xrf2);
	(xrf2) =	vadd.scan.msk.f32 $0xffff, v20  }
0x157: {  	v6 =	vld [tilespmem:s16+$0x7E0];
	v7 =	vadd.f32 $0.0e+00, v7;
	v5 =	vmul.f32 v40, v39;
	v14 =	vadd.f32 v34, v14  }
0x158: {  	v16 =	vadd.f32 v9, v10;
	v41 =	vmul.f32 v18, v13;
	v13 =	vld [tilespmem:s16+$0x87E0]  }
0x159: {  	v3 =	vld [tilespmem:s16+$0x7F0];
	v45 =	vmul.f32 v44, v43;
	v4 =	vmul.f32 v11, v42;
	v5 =	vadd.f32 v5, v7;
	v15, _, _ =	vpop (xrf2);
	(xrf2) =	vadd.scan.msk.f32 $0xffff, v14  }
0x15a: {  	v48 =	vld [tilespmem:s16+$0x87F0];
	v0 =	vmul.f32 v47, v17;
	v46 =	vadd.f32 v41, v16  }
0x15b: {  	v4 =	vadd.f32 v4, v5;
	v2 =	vadd.f32 $0.0e+00, v45;
	v8 =	vmul.f32 v12, v8  }
0x15c: {  	v49, _, _ =	vpop (xrf2);
	(xrf2) =	vadd.scan.msk.f32 $0xffff, v46  }
0x15d: {  	v50 =	vmul.f32 v13, v6;
	v0 =	vadd.f32 v0, v2;
	v8 =	vadd.f32 v8, v4;
	v51, _, _ =	vpop (xrf2)  }
0x15e: {  	v53 =	vbroadcast v49, $0xF;
	v5 =	vbroadcast v51, $0xF  }
0x15f: {  	v1 =	vmul.f32 v48, v3;
	v0 =	vadd.f32 v50, v0;
	v54 =	vbroadcast v15, $0xF;
	(xrf2) =	vadd.scan.msk.f32 $0xffff, v8  }
0x160: {  	v56 =	vbroadcast v22, $0xF;
	v57, _, _ =	vpop (xrf2);
	v55 =	vsel vm0, v53, v5  }
0x161: {  	v0 =	vadd.f32 v1, v0;
	v58 =	vbroadcast v57, $0xF;
	v2 =	vsel vm1, v55, v54  }
0x162: {  	v60 =	vbroadcast v26, $0xF;
	v59 =	vsel vm2, v2, v56  }
0x163: {  	v61 =	vbroadcast v28, $0xF;
	v62, _, _ =	vpop (xrf2);
	(xrf2) =	vadd.scan.msk.f32 $0xffff, v0;
	v1 =	vsel vm3, v59, v58  }
0x164: {  	v6 =	vbroadcast v62, $0xF;
	v63 =	vsel vm4, v1, v60  }
0x165: {  	v7 =	vbroadcast v38, $0xF;
	v0 =	vsel vm5, v63, v61  }
0x166: {  	v8 =	vbroadcast v24, $0xF;
	v9, _, _ =	vpop (xrf2);
	v0 =	vsel vm6, v0, v6  }
0x167: {  	v10 =	vbroadcast v9, $0xF;
	v0 =	vsel vm7, v0, v7  }
0x168: {  	v11 =	vbroadcast v30, $0xF;
	v0 =	vsel vm8, v0, v8  }
0x169: {  	v32 =	vbroadcast v21, $0xF;
	v33, _, _ =	vpop (xrf2);
	v0 =	vsel vm9, v0, v10  }
0x16a: {  	v3 =	vbroadcast v33, $0xF;
	v0 =	vsel vm10, v0, v11  }
0x16b: {  	v34 =	vbroadcast v52, $0xF;
	v0 =	vsel vm11, v0, v32  }
0x16c: {  	v0 =	vsel vm12, v0, v3  }
0x16d: {  	v35, _, _ =	vpop (xrf2);
	v0 =	vsel vm13, v0, v34  }
0x16e: {  	s17 =	sadd.s32 $0x10, s17;
	v0 =	vsel vm14, v0, v35  }
0x16f: {  	s16 =	sshra.s32 s18, $0x2;
	[tilespmem:s17+$0x0] =	vst v0  }
0x170: {  	v32 =	vld [tilespmem:s16+$0x7B0]  }
0x171: {  	v35 =	vld [tilespmem:s16+$0x87B0]  }
0x172: {  	v0 =	vld [tilespmem:s16+$0x7D0]  }
0x173: {  	v36 =	vld [tilespmem:s16+$0x87D0]  }
0x174: {  	v29 =	vld [tilespmem:s16+$0x7A0]  }
0x175: {  	v34 =	vld [tilespmem:s16+$0x87A0]  }
0x176: {  	v37 =	vld [tilespmem:s16+$0x7C0]  }
0x177: {  	v38 =	vld [tilespmem:s16+$0x87C0]  }
0x178: {  	v33 =	vld [tilespmem:s16+$0x730]  }
0x179: {  	v39 =	vld [tilespmem:s16+$0x760]  }
0x17a: {  	v27 =	vld [tilespmem:s16+$0x790]  }
0x17b: {  	v52 =	vld [tilespmem:s16+$0x8790]  }
0x17c: {  	v40 =	vld [tilespmem:s16+$0x6F0]  }
0x17d: {  	v41 =	vld [tilespmem:s16+$0x86F0]  }
0x17e: {  	v47 =	vld [tilespmem:s16+$0x720]  }
0x17f: {  	v48 =	vld [tilespmem:s16+$0x8720]  }
0x180: {  	v42 =	vld [tilespmem:s16+$0x750]  }
0x181: {  	v43 =	vld [tilespmem:s16+$0x8750]  }
0x182: {  	v23 =	vld [tilespmem:s16+$0x780]  }
0x183: {  	v62 =	vld [tilespmem:s16+$0x8780]  }
0x184: {  	v46 =	vld [tilespmem:s16+$0x86E0]  }
0x185: {  	v57 =	vld [tilespmem:s16+$0x710]  }
0x186: {  	v60 =	vld [tilespmem:s16+$0x8710]  }
0x187: {  	v44 =	vld [tilespmem:s16+$0x740]  }
0x188: {  	v45 =	vld [tilespmem:s16+$0x8740]  }
0x189: {  	v49 =	vld [tilespmem:s16+$0x6A0]  }
0x18a: {  	v58 =	vld [tilespmem:s16+$0x6D0]  }
0x18b: {  	v61 =	vld [tilespmem:s16+$0x86D0]  }
0x18c: {  	v63 =	vld [tilespmem:s16+$0x700]  }
0x18d: {  	v50 =	vld [tilespmem:s16+$0x630]  }
0x18e: {  	v51 =	vld [tilespmem:s16+$0x8630]  }
0x18f: {  	v53 =	vld [tilespmem:s16+$0x690]  }
0x190: {  	v54 =	vld [tilespmem:s16+$0x8690]  }
0x191: {  	v1 =	vld [tilespmem:s16+$0x6C0]  }
0x192: {  	v2 =	vld [tilespmem:s16+$0x86C0]  }
0x193: {  	v3 =	vld [tilespmem:s16+$0x650]  }
0x194: {  	v4 =	vld [tilespmem:s16+$0x8650]  }
0x195: {  	v55 =	vld [tilespmem:s16+$0x680]  }
0x196: {  	v56 =	vld [tilespmem:s16+$0x8680]  }
0x197: {  	v59 =	vld [tilespmem:s16+$0x5E0]  }
0x198: {  	v5 =	vld [tilespmem:s16+$0x610]  }
0x199: {  	v6 =	vld [tilespmem:s16+$0x8610]  }
0x19a: {  	v7 =	vld [tilespmem:s16+$0x640]  }
0x19b: {  	v8 =	vld [tilespmem:s16+$0x8640]  }
0x19c: {  	v21 =	vld [tilespmem:s16+$0x5D0]  }
0x19d: {  	v9 =	vld [tilespmem:s16+$0x600]  }
0x19e: {  	v10 =	vld [tilespmem:s16+$0x8600]  }
0x19f: {  	v11 =	vld [tilespmem:s16+$0x590]  }
0x1a0: {  	v12 =	vld [tilespmem:s16+$0x8590]  }
0x1a1: {  	v22 =	vld [tilespmem:s16+$0x5C0]  }
0x1a2: {  	v19 =	vld [tilespmem:s16+$0x85C0]  }
0x1a3: {  	v26 =	vld [tilespmem:s16+$0x84F0]  }
0x1a4: {  	v20 =	vld [tilespmem:s16+$0x520]  }
0x1a5: {  	v13 =	vld [tilespmem:s16+$0x550]  }
0x1a6: {  	v24 =	vld [tilespmem:s16+$0x8550]  }
0x1a7: {  	v15 =	vld [tilespmem:s16+$0x580]  }
0x1a8: {  	v16 =	vld [tilespmem:s16+$0x8580]  }
0x1a9: {  	v25 =	vld [tilespmem:s16+$0x4B0]  }
0x1aa: {  	v28 =	vld [tilespmem:s16+$0x84B0]  }
0x1ab: {  	v30 =	vld [tilespmem:s16+$0x4E0]  }
0x1ac: {  	v31 =	vld [tilespmem:s16+$0x84E0]  }
0x1ad: {  	v14 =	vld [tilespmem:s16+$0x510]  }
0x1ae: {  	v18 =	vld [tilespmem:s16+$0x540]  }
0x1af: {  	v17 =	vld [tilespmem:s16+$0x8540]  }
0x1b0: {  	[tilespmem:$0x1FED0] =	vst v36;
	v36 =	vld [tilespmem:s16+$0x8730]  }
0x1b1: {  	[tilespmem:$0x1FEE0] =	vst v37;
	v37 =	vld [tilespmem:s16+$0x6E0]  }
0x1b2: {  	[tilespmem:$0x1FF00] =	vst v39;
	v39 =	vld [tilespmem:s16+$0x670]  }
0x1b3: {  	[tilespmem:$0x1FD50] =	vst v41;
	v41 =	vld [tilespmem:s16+$0x8670]  }
0x1b4: {  	[tilespmem:$0x1FD60] =	vst v0;
	v0 =	vld [tilespmem:s16+$0x8700]  }
0x1b5: {  	[tilespmem:$0x1FD80] =	vst v51;
	v51 =	vld [tilespmem:s16+$0x660]  }
0x1b6: {  	[tilespmem:$0x1FEF0] =	vst v38;
	v38 =	vld [tilespmem:s16+$0x8660]  }
0x1b7: {  	[tilespmem:$0x1FF50] =	vst v49;
	v49 =	vld [tilespmem:s16+$0x620]  }
0x1b8: {  	[tilespmem:$0x1FD70] =	vst v50;
	v50 =	vld [tilespmem:s16+$0x8620]  }
0x1b9: {  	[tilespmem:$0x1FF30] =	vst v44;
	v44 =	vld [tilespmem:s16+$0x5B0]  }
0x1ba: {  	[tilespmem:$0x1FF40] =	vst v45;
	v45 =	vld [tilespmem:s16+$0x85B0]  }
0x1bb: {  	[tilespmem:$0x1FF10] =	vst v42;
	v42 =	vld [tilespmem:s16+$0x570]  }
0x1bc: {  	[tilespmem:$0x1FF20] =	vst v43;
	v43 =	vld [tilespmem:s16+$0x8570]  }
0x1bd: {  	[tilespmem:$0x1FF90] =	vst v56;
	v56 =	vld [tilespmem:s16+$0x5A0]  }
0x1be: {  	[tilespmem:$0x1FFA0] =	vst v59;
	v59 =	vld [tilespmem:s16+$0x85A0]  }
0x1bf: {  	[tilespmem:$0x1FF60] =	vst v53;
	v53 =	vld [tilespmem:s16+$0x85D0]  }
0x1c0: {  	[tilespmem:$0x1FD40] =	vst v40;
	v40 =	vld [tilespmem:s16+$0x560]  }
0x1c1: {  	[tilespmem:$0x1FF80] =	vst v55;
	v55 =	vld [tilespmem:s16+$0x8560]  }
0x1c2: {  	[tilespmem:$0x1FF70] =	vst v54;
	v54 =	vld [tilespmem:s16+$0x4F0]  }
0x1c3: {  	v62 =	vmul.f32 v62, v23;
	v23 =	vld [tilespmem:s16+$0x8510]  }
0x1c4: {  	v52 =	vmul.f32 v52, v27;
	v27 =	vld [tilespmem:s16+$0x430];
	v57 =	vmul.f32 v60, v57  }
0x1c5: {  	v1 =	vmul.f32 v2, v1;
	v32 =	vmul.f32 v35, v32;
	v35 =	vld [tilespmem:s16+$0x84A0];
	v62 =	vadd.f32 $0.0e+00, v62  }
0x1c6: {  	v47 =	vmul.f32 v48, v47;
	v48 =	vld [tilespmem:s16+$0x4D0];
	v60 =	vmul.f32 v61, v58  }
0x1c7: {  	v1 =	vadd.f32 $0.0e+00, v1;
	v52 =	vadd.f32 v52, v62;
	v62 =	vmul.f32 v34, v29;
	v29 =	vld [tilespmem:s16+$0x8430]  }
0x1c8: {  	v34 =	vld [tilespmem:s16+$0x4A0]  }
0x1c9: {  	v1 =	vadd.f32 v60, v1;
	v60 =	vmul.f32 v6, v5;
	v5 =	vld [tilespmem:s16+$0x4C0];
	v0 =	vmul.f32 v0, v63  }
0x1ca: {  	v61 =	vmul.f32 v36, v33;
	v33 =	vld [tilespmem:s16+$0x8500]  }
0x1cb: {  	v36 =	vld [tilespmem:s16+$0x420];
	v0 =	vadd.f32 $0.0e+00, v0  }
0x1cc: {  	v7 =	vmul.f32 v8, v7;
	v37 =	vmul.f32 v46, v37;
	v46 =	vld [tilespmem:$0x1FD40];
	v63 =	vadd.f32 v62, v52  }
0x1cd: {  	v52 =	vmul.f32 v38, v51;
	v51 =	vmul.f32 v17, v18;
	v17 =	vld [tilespmem:$0x1FD60];
	v0 =	vadd.f32 v57, v0  }
0x1ce: {  	v3 =	vmul.f32 v4, v3;
	v62 =	vadd.f32 $0.0e+00, v7;
	v38 =	vld [tilespmem:s16+$0x410];
	v2 =	vadd.f32 v32, v63  }
0x1cf: {  	v1 =	vadd.f32 v37, v1;
	v37 =	vld [tilespmem:s16+$0x8420];
	v0 =	vadd.f32 v47, v0  }
0x1d0: {  	(xrf2) =	vadd.scan.msk.f32 $0xffff, v2;
	v2 =	vadd.f32 v3, v62;
	v47 =	vld [tilespmem:$0x1FD50]  }
0x1d1: {  	v32 =	vld [tilespmem:s16+$0x500];
	v0 =	vadd.f32 v61, v0  }
0x1d2: {  	v63 =	vmul.f32 v10, v9;
	v2 =	vadd.f32 v52, v2;
	v52 =	vld [tilespmem:$0x1FD70]  }
0x1d3: {  	v61 =	vmul.f32 v16, v15;
	v16 =	vmov v53;
	v53 =	vld [tilespmem:$0x1FD80];
	(xrf2) =	vadd.scan.msk.f32 $0xffff, v0  }
0x1d4: {  	v9 =	vld [tilespmem:s16+$0x8480];
	v58 =	vadd.f32 $0.0e+00, v63;
	v62 =	vmul.f32 v41, v39  }
0x1d5: {  	v42 =	vmul.f32 v43, v42;
	v63 =	vld [tilespmem:s16+$0x84C0];
	v7 =	vmul.f32 v47, v46  }
0x1d6: {  	v57 =	vld [tilespmem:s16+$0x84D0];
	v2 =	vadd.f32 v62, v2;
	v0 =	vadd.f32 v60, v58;
	v47 =	vmul.f32 v50, v49  }
0x1d7: {  	v39 =	vld [tilespmem:s16+$0x8490];
	v49 =	vadd.f32 $0.0e+00, v61;
	v50 =	vmul.f32 v12, v11;
	v1 =	vadd.f32 v7, v1  }
0x1d8: {  	p0 =	sne.s32 s18, $0x1F000;
	v3 =	vld [tilespmem:s16+$0x480];
	v58 =	vmul.f32 v59, v56;
	v0 =	vadd.f32 v47, v0;
	v4 =	vmul.f32 v53, v52  }
.Ltmp0:
0x1d9: {  	v41 =	vld [tilespmem:s16+$0x8400];
	v59 =	vadd.f32 $0.0e+00, v51;
	v60 =	vmul.f32 v24, v13;
	(xrf2) =	vadd.scan.msk.f32 $0xffff, v1;
	v1 =	vadd.f32 v50, v49;
	(pc) =	sbr.rel @p0 .LBB2_2-.Ltmp0, $4  }
0x1da: {  	v18 =	vmovc v22;
	v62 =	vmul.f32 v45, v44;
	v44 =	vld [tilespmem:s16+$0x8410];
	v61 =	vmul.f32 v63, v5;
	v0 =	vadd.f32 v4, v0  }
0x1db: {  	v45 =	vld [tilespmem:s16+$0x440];
	v63 =	vmul.f32 v55, v40;
	(xrf2) =	vadd.scan.msk.f32 $0xffff, v2;
	v2 =	vadd.f32 v60, v59;
	v1 =	vadd.f32 v58, v1  }
0x1dc: {  	v15 =	vmov v21;
	v48 =	vmul.f32 v57, v48;
	v46 =	vld [tilespmem:s16+$0x490];
	v51 =	vadd.f32 $0.0e+00, v61;
	v52, _, _ =	vpop (xrf2)  }
0x1dd: {  	s18 =	sadd.s32 $0x1000, s18;
	v47 =	vld [tilespmem:s16+$0x400];
	v50 =	vmul.f32 v9, v3;
	(xrf2) =	vadd.scan.msk.f32 $0xffff, v0;
	v49 =	vadd.f32 v63, v2;
	v40 =	vadd.f32 v62, v1;
	v21, _, _ =	vpop (xrf2)  }
0x1de: {  	v0 =	vld [tilespmem:s16+$0x8440]  }
0x1df: {  	v2 =	vld [tilespmem:s16+$0x450]  }
0x1e0: {  	v6 =	vld [tilespmem:s16+$0x8450]  }
0x1e1: {  	v9 =	vld [tilespmem:s16+$0x460]  }
0x1e2: {  	v11 =	vld [tilespmem:s16+$0x8460]  }
0x1e3: {  	v12 =	vld [tilespmem:s16+$0x470]  }
0x1e4: {  	v24 =	vmul.f32 v26, v54;
	v26 =	vld [tilespmem:s16+$0x8470]  }
0x1e5: {  	v25 =	vmul.f32 v28, v25;
	v28 =	vld [tilespmem:s16+$0x8520]  }
0x1e6: {  	v7 =	vmul.f32 v31, v30;
	v31 =	vld [tilespmem:s16+$0x530]  }
0x1e7: {  	v30 =	vmul.f32 v33, v32;
	v33 =	vld [tilespmem:s16+$0x8530]  }
0x1e8: {  	v13 =	vmul.f32 v37, v36;
	v36 =	vld [tilespmem:s16+$0x85E0]  }
0x1e9: {  	v4 =	vadd.f32 v48, v51;
	v48 =	vld [tilespmem:$0x1FF90]  }
0x1ea: {  	v51 =	vld [tilespmem:s16+$0x86B0]  }
0x1eb: {  	v55 =	vld [tilespmem:$0x1FF60]  }
0x1ec: {  	v56 =	vld [tilespmem:$0x1FF70]  }
0x1ed: {  	v57 =	vld [tilespmem:s16+$0x8760]  }
0x1ee: {  	v60 =	vld [tilespmem:$0x1FF30]  }
0x1ef: {  	v22 =	vmul.f32 v35, v34;
	v34 =	vmul.f32 v29, v27;
	v61 =	vld [tilespmem:$0x1FF40]  }
0x1f0: {  	v35 =	vmul.f32 v23, v14;
	v62 =	vld [tilespmem:s16+$0x770];
	v3 =	vadd.f32 $0.0e+00, v50;
	v5 =	vmul.f32 v41, v47  }
0x1f1: {  	v8 =	vadd.f32 v42, v49;
	v42 =	vld [tilespmem:s16+$0x85F0];
	v1 =	vmul.f32 v39, v46;
	v0 =	vmul.f32 v0, v45  }
0x1f2: {  	v10 =	vmul.f32 v44, v38;
	v49 =	vld [tilespmem:s16+$0x6B0];
	v4 =	vadd.f32 v7, v4;
	v5 =	vadd.f32 $0.0e+00, v5  }
0x1f3: {  	v50 =	vld [tilespmem:$0x1FFA0];
	v1 =	vadd.f32 v1, v3;
	v2 =	vmul.f32 v6, v2;
	v0 =	vadd.f32 $0.0e+00, v0  }
0x1f4: {  	v38 =	vmul.f32 v19, v18;
	v39 =	vld [tilespmem:s16+$0x5F0];
	v4 =	vadd.f32 v24, v4;
	v5 =	vadd.f32 v10, v5  }
0x1f5: {  	v47 =	vld [tilespmem:$0x1FF80];
	v32 =	vmul.f32 v11, v9;
	v1 =	vadd.f32 v22, v1;
	v0 =	vadd.f32 v2, v0  }
0x1f6: {  	(xrf2) =	vadd.scan.msk.f32 $0xffff, v40;
	v3 =	vadd.f32 $0.0e+00, v30;
	v37 =	vmul.f32 v26, v12;
	v45 =	vld [tilespmem:s16+$0x86A0];
	v5 =	vadd.f32 v13, v5  }
0x1f7: {  	(xrf2) =	vadd.scan.msk.f32 $0xffff, v8;
	v41 =	vmul.f32 v28, v20;
	v20 =	vld [tilespmem:$0x1FF50];
	v1 =	vadd.f32 v25, v1;
	v0 =	vadd.f32 v32, v0  }
0x1f8: {  	v44 =	vmul.f32 v16, v15;
	v26 =	vld [tilespmem:$0x1FF20];
	(xrf2) =	vadd.scan.msk.f32 $0xffff, v4;
	v3 =	vadd.f32 v35, v3;
	v40 =	vadd.f32 v34, v5  }
0x1f9: {  	v43 =	vadd.f32 $0.0e+00, v38;
	v46 =	vmul.f32 v33, v31;
	v33 =	vld [tilespmem:$0x1FEE0];
	(xrf2) =	vadd.scan.msk.f32 $0xffff, v1;
	v0 =	vadd.f32 v37, v0  }
0x1fa: {  	v3 =	vadd.f32 v41, v3;
	v25 =	vld [tilespmem:$0x1FF10];
	v5 =	vmul.f32 v48, v47;
	(xrf2) =	vadd.scan.msk.f32 $0xffff, v40  }
0x1fb: {  	v2 =	vmul.f32 v36, v50;
	v1 =	vadd.f32 v44, v43;
	v32 =	vld [tilespmem:$0x1FF00];
	(xrf2) =	vadd.scan.msk.f32 $0xffff, v0  }
0x1fc: {  	v4 =	vmul.f32 v56, v55;
	v53 =	vadd.f32 v46, v3;
	v34 =	vld [tilespmem:$0x1FEF0];
	v54 =	vadd.f32 $0.0e+00, v5  }
0x1fd: {  	v58, _, _ =	vpop (xrf2);
	v6 =	vmul.f32 v61, v60;
	v22 =	vld [tilespmem:s16+$0x8770];
	v59 =	vmul.f32 v42, v39;
	v1 =	vadd.f32 v2, v1  }
0x1fe: {  	v63, _, _ =	vpop (xrf2);
	v37 =	vld [tilespmem:$0x1FED0];
	v3 =	vadd.f32 v4, v54;
	v4 =	vmul.f32 v45, v20;
	(xrf2) =	vadd.scan.msk.f32 $0xffff, v53  }
0x1ff: {  	v27 =	vld [tilespmem:s16+$0x7E0];
	v24 =	vadd.f32 $0.0e+00, v6;
	v23, _, _ =	vpop (xrf2);
	v6 =	vmul.f32 v26, v25;
	v1 =	vadd.f32 v59, v1  }
0x200: {  	v30 =	vld [tilespmem:s16+$0x87E0];
	v29 =	vmul.f32 v51, v49;
	v28, _, _ =	vpop (xrf2);
	v3 =	vadd.f32 v4, v3  }
0x201: {  	v38 =	vld [tilespmem:s16+$0x87F0];
	v31, _, _ =	vpop (xrf2);
	v2 =	vadd.f32 v6, v24;
	v5 =	vmul.f32 v57, v32;
	v6 =	vmul.f32 v34, v33;
	(xrf2) =	vadd.scan.msk.f32 $0xffff, v1  }
0x202: {  	v35 =	vld [tilespmem:s16+$0x7F0];
	v40 =	vmul.f32 v22, v62;
	v36, _, _ =	vpop (xrf2);
	v3 =	vadd.f32 v29, v3  }
0x203: {  	v4 =	vmul.f32 v37, v17;
	v2 =	vadd.f32 v5, v2;
	v6 =	vadd.f32 $0.0e+00, v6;
	v39, _, _ =	vpop (xrf2)  }
0x204: {  	(xrf2) =	vadd.scan.msk.f32 $0xffff, v3;
	v41, _, _ =	vpop (xrf2)  }
0x205: {  	v43 =	vmul.f32 v30, v27;
	v2 =	vadd.f32 v40, v2;
	v42 =	vadd.f32 v4, v6;
	v44, _, _ =	vpop (xrf2)  }
0x206: {  	v45 =	vbroadcast v41, $0xF;
	v5 =	vbroadcast v44, $0xF  }
0x207: {  	v47 =	vmul.f32 v38, v35;
	v46 =	vbroadcast v39, $0xF;
	v3 =	vadd.f32 v43, v42;
	(xrf2) =	vadd.scan.msk.f32 $0xffff, v2  }
0x208: {  	v1 =	vbroadcast v36, $0xF;
	v49, _, _ =	vpop (xrf2);
	v48 =	vsel vm0, v45, v5  }
0x209: {  	v3 =	vadd.f32 v47, v3;
	v5 =	vbroadcast v49, $0xF;
	v2 =	vsel vm1, v48, v46  }
0x20a: {  	v50 =	vbroadcast v31, $0xF;
	v1 =	vsel vm2, v2, v1  }
0x20b: {  	v51 =	vbroadcast v28, $0xF;
	v53, _, _ =	vpop (xrf2);
	(xrf2) =	vadd.scan.msk.f32 $0xffff, v3;
	v1 =	vsel vm3, v1, v5  }
0x20c: {  	v54 =	vbroadcast v53, $0xF;
	v1 =	vsel vm4, v1, v50  }
0x20d: {  	v0 =	vbroadcast v23, $0xF;
	v1 =	vsel vm5, v1, v51  }
0x20e: {  	v55 =	vbroadcast v63, $0xF;
	v56, _, _ =	vpop (xrf2);
	v1 =	vsel vm6, v1, v54  }
0x20f: {  	v57 =	vbroadcast v56, $0xF;
	v0 =	vsel vm7, v1, v0  }
0x210: {  	v58 =	vbroadcast v58, $0xF;
	v0 =	vsel vm8, v0, v55  }
0x211: {  	v59 =	vbroadcast v21, $0xF;
	v60, _, _ =	vpop (xrf2);
	v0 =	vsel vm9, v0, v57  }
0x212: {  	v61 =	vbroadcast v60, $0xF;
	v0 =	vsel vm10, v0, v58  }
0x213: {  	v62 =	vbroadcast v52, $0xF;
	v0 =	vsel vm11, v0, v59  }
0x214: {  	v0 =	vsel vm12, v0, v61  }
0x215: {  	s15 =	sadd.s32 $0x1, s15;
	v63, _, _ =	vpop (xrf2);
	v0 =	vsel vm13, v0, v62  }
0x216: {  	s31 =	sadd.s32 $0x10, s17;
	p0 =	sne.s32 s15, s7;
	v0 =	vsel vm14, v0, v63  }
.Ltmp1:
0x217: {  	[tilespmem:s31+$0x0] =	vst v0;
	(pc) =	sbr.rel @p0 .LBB2_1-.Ltmp1, $4  }
0x218: {  	[hbm4b:s6+s1] =	stream.linear.scatter [tilespmem:s14], [sflag:$0x3], $0x200, $0x38;
	[tilespmem:$0x10600] =	vst v63  }
0x219: {  	_ =	swait.ge [sflag:s8], $0x200  }
0x21a: {  	[sflag:s8] =	ssyncset.done $0x0  }
0x21b: {  	[sflag:s8] =	ssyncadd.s32 $0xFFFFFE00  }
0x21c: {  	_ =	sfence.sel $0x180000  }
0x21d: {  	[bflag:$0x0] =	sbarrier.arrive $0xFFFF  }
0x21e: {  	p0 =	sne.s32 s2, $0x0;
	_ =	strace $0x90000047  }
0x21f: {  	s0 =	sadd.s32 @!p0 $0x100000, s0;
	[bflag:$0x2] =	sbarrier.arrive $0xFFFF  }
0x220: {  	[sflag:s0] =	ssyncadd.tile.s32 @!p0 $0x1;
	_ =	shalt  }
.Lfunc_end2:
_tile_overlayer_lowered:
.L_overlay_start_2:
0x221: {  	(tag) =	ssettag $0x2  }
0x222: {  	s0 =	rddreg [dreg:$0x0];
	s2 =	stileid.u32  }
0x223: {  	s1 =	rddreg [dreg:$0x1];
	p0 =	sne.s32 s2, $0x0  }
0x224: {  	s3 =	rddreg [dreg:$0x2];
	[bflag:$0x3] =	sbarrier.arrive $0xFFFF;
	s2 =	simm.s32 @!p0 $0x1C03  }
0x225: {  	[timem:s3], [sflag:s2] =	dma.local @!p0 [hbm:s0], s1  }
0x226: {  	s0 =	simm.s32 @!p0 $0x3  }
0x227: {  	_ =	swait.ge @!p0 [sflag:s0], s1  }
0x228: {  	s1 =	ssub.s32 @!p0 $0x0, s1;
	[sflag:s0] =	ssyncset.done @!p0 $0x0  }
0x229: {  	[sflag:s0] =	ssyncadd.s32 @!p0 s1  }
0x22a: {  	[bflag:$0x3] =	sbarrier.arrive $0xFFFF  }
0x22b: {  	_ =	shalt  }

</sc_bundles>
